<compile_context>
chip_gen: v7x
topology: tpu7x:2x2x1
jax: 0.10.2.dev20260603
libtpu: 0.0.44.dev20260713+nightly
codegen_flags: <defaults>
</compile_context>

<pallas_src>
import functools

import jax
import jax.numpy as jnp
from jax import lax
from jax.experimental import pallas as pl
from jax.experimental.pallas import tpu as pltpu
from jax.experimental.pallas import tpu_sc as plsc

_NC = 2
_NS = 16
_NW = _NC * _NS
_P = 16
_NB = 4


def _embed(ids, wte, wpe, *, n, d, seq, nbatch):
    span = seq // _NW
    npsub = span // _P
    nsteps = npsub * nbatch

    mesh = plsc.VectorSubcoreMesh(
        core_axis_name="c", subcore_axis_name="s",
        num_cores=_NC, num_subcores=_NS)

    @functools.partial(
        pl.kernel,
        out_type=jax.ShapeDtypeStruct((n, d), jnp.float32),
        mesh=mesh,
        scratch_types=[
            pltpu.VMEM((nbatch, span), jnp.int32),
            pltpu.VMEM((_NB, _P, d), jnp.float32),
            pltpu.VMEM((2, _P, d), jnp.float32),
            pltpu.SemaphoreType.DMA((_NB,)),
            pltpu.SemaphoreType.DMA((_NB,)),
            pltpu.SemaphoreType.DMA((2,)),
        ],
    )
    def run(ids_hbm, wte_hbm, wpe_hbm, out_hbm, idx_v, gbuf, wbuf, gsem, ssem, wsem):
        wid = lax.axis_index("s") * _NC + lax.axis_index("c")
        s0 = wid * span

        pltpu.sync_copy(ids_hbm.at[:, pl.ds(s0, span)], idx_v)

        def g_copy(i):
            p, b, be = i // nbatch, i % nbatch, i % _NB
            return pltpu.make_async_copy(
                wte_hbm.at[idx_v.at[b, pl.ds(p * _P, _P)]],
                gbuf.at[be], gsem.at[be])

        def s_copy(i):
            p, b, be = i // nbatch, i % nbatch, i % _NB
            row0 = b * seq + s0 + p * _P
            return pltpu.make_async_copy(
                gbuf.at[be], out_hbm.at[pl.ds(row0, _P)], ssem.at[be])

        def w_copy(pp):
            return pltpu.make_async_copy(
                wpe_hbm.at[pl.ds(s0 + pp * _P, _P)], wbuf.at[pp % 2],
                wsem.at[pp % 2])

        w_copy(0).start()
        w_copy(1).start()
        g_copy(0).start()
        g_copy(1).start()

        nvec = d // 16

        def step(i, carry):
            p = i // nbatch
            b = i % nbatch
            be = i % _NB

            @pl.when(i >= 2)
            def _():
                s_copy(i - 2).wait()

            @pl.when(i + 2 < nsteps)
            def _():
                g_copy(i + 2).start()

            g_copy(i).wait()

            @pl.when(b == 0)
            def _():
                w_copy(p).wait()

            wsel = p % 2

            @plsc.parallel_loop(0, _P * nvec, 1, unroll=16)
            def add_body(v):
                r = v // nvec
                sl = pl.ds((v % nvec) * 16, 16)
                plsc.addupdate(gbuf.at[be, r, sl], wbuf[wsel, r, sl])

            s_copy(i).start()

            @pl.when(jnp.logical_and(b == nbatch - 1, p + 2 < npsub))
            def _():
                w_copy(p + 2).start()

            return carry

        lax.fori_loop(0, nsteps, step, 0)
        s_copy(nsteps - 2).wait()
        s_copy(nsteps - 1).wait()

    return run(ids, wte, wpe)


def kernel(input_ids, wte, wpe):
    nbatch, seq = input_ids.shape
    d = wte.shape[1]
    n = nbatch * seq
    out = _embed(input_ids.astype(jnp.int32), wte, wpe,
                 n=n, d=d, seq=seq, nbatch=nbatch)
    return out.reshape(nbatch, seq, d)

# --- scband reference (transcript-rebuilt; emitter-appended) ---
"""Pipeline reference for scband-gpt2-embedding-6992206757949 (READ-ONLY COPY).

The authoritative reference and input builder live on the scoring server;
editing this copy changes nothing except your own understanding.
"""

import jax, jax.numpy as jnp
import numpy as np

VOCAB = 50257
N_POS = 4096
N_EMBD = 1024
BATCH = 4
SEQ = 4096

def setup_inputs(seed: int = 0) -> dict:
    key = jax.random.key(seed)
    k1, k2, k3 = jax.random.split(key, 3)
    input_ids = jax.random.randint(k1, (BATCH, SEQ), 0, VOCAB, dtype=jnp.int64 if jax.config.jax_enable_x64 else jnp.int32)
    wte = jax.random.normal(k2, (VOCAB, N_EMBD), dtype=jnp.float32) * 0.02
    wpe = jax.random.normal(k3, (N_POS, N_EMBD), dtype=jnp.float32) * 0.02
    return {"input_ids": input_ids, "wte": wte, "wpe": wpe}

def reference(input_ids, wte, wpe):
    # past is None -> past_length = 0
    seq_len = input_ids.shape[-1]
    position_ids = jnp.arange(0, seq_len, dtype=input_ids.dtype)
    position_ids = jnp.broadcast_to(position_ids[None, :], input_ids.shape)
    position_ids = position_ids.reshape(-1, position_ids.shape[-1])
    input_ids_2d = input_ids.reshape(-1, input_ids.shape[-1])
    inputs_embeds = jnp.take(wte, input_ids_2d, axis=0)
    position_embeds = jnp.take(wpe, position_ids, axis=0)
    # token_type_ids is None -> token_type_embeds = 0
    hidden_states = inputs_embeds + position_embeds
    return hidden_states

if __name__ == "__main__":
    import jax
    _d = setup_inputs()
    print(jax.jit(kernel)(*tuple(_d.values())))

</pallas_src>

<mosaic_0001>
#map = affine_map<(d0, d1) -> (0, 0)>
module attributes {stable_mosaic.version = 14 : i64} {
  func.func @run(%arg0: i32, %arg1: i32, %arg2: memref<4x4096xi32, #tpu.memory_space<hbm>>, %arg3: memref<50257x1024xf32, #tpu.memory_space<hbm>>, %arg4: memref<4096x1024xf32, #tpu.memory_space<hbm>>, %arg5: memref<16384x1024xf32, #tpu.memory_space<hbm>>, %arg6: memref<4x128xi32, #tpu.memory_space<vmem>>, %arg7: memref<4x16x1024xf32, #tpu.memory_space<vmem>>, %arg8: memref<2x16x1024xf32, #tpu.memory_space<vmem>>, %arg9: memref<4x!tpu.dma_semaphore, #tpu.memory_space<semaphore_mem>>, %arg10: memref<4x!tpu.dma_semaphore, #tpu.memory_space<semaphore_mem>>, %arg11: memref<2x!tpu.dma_semaphore, #tpu.memory_space<semaphore_mem>>) attributes {dimension_semantics = [#tpu.dimension_semantics<core_parallel>, #tpu.dimension_semantics<subcore_parallel>], iteration_bounds = array<i64: 2, 16>, scalar_prefetch = 0 : i64, scratch_operands = 6 : i64, tpu.core_type = #tpu.core_type<sc_vector_subcore>, window_params = [{transform_indices = #map}, {transform_indices = #map}, {transform_indices = #map}, {transform_indices = #map}]} {
    %mul3A = arith.constant 2 : i32
    %mul3A_0 = arith.muli %arg1, %mul3A : i32
    %add3A = arith.addi %mul3A_0, %arg0 : i32
    %mul3A_1 = arith.constant 128 : i32
    %mul3A_2 = arith.muli %add3A, %mul3A_1 : i32
    "tpu.region"() ({
      %run_scoped3A = tpu.sem_alloc : memref<!tpu.dma_semaphore, #tpu.memory_space<semaphore_mem>>
      %dma_start3A_112 = arith.constant 0 : i32
      %dma_start3A_113 = tpu.memref_slice %arg2[%dma_start3A_112, %mul3A_2] : memref<4x4096xi32, #tpu.memory_space<hbm>> -> memref<4x128xi32, #tpu.memory_space<hbm>>
      %dma_start3A_114 = arith.constant 0 : i32
      %dma_start3A_115 = tpu.memref_slice %arg2[%dma_start3A_114, %mul3A_2] : memref<4x4096xi32, #tpu.memory_space<hbm>> -> memref<4x128xi32, #tpu.memory_space<hbm>>
      tpu.enqueue_dma source(%dma_start3A_115 : memref<4x128xi32, #tpu.memory_space<hbm>>) target(%arg6 : memref<4x128xi32, #tpu.memory_space<vmem>>) target_semaphore(%run_scoped3A : memref<!tpu.dma_semaphore, #tpu.memory_space<semaphore_mem>>)
      %dma_wait3A_116 = arith.constant 0 : i32
      %dma_wait3A_117 = tpu.memref_slice %arg2[%dma_wait3A_116, %mul3A_2] : memref<4x4096xi32, #tpu.memory_space<hbm>> -> memref<4x128xi32, #tpu.memory_space<hbm>>
      %dma_wait3A_118 = arith.constant 0 : i32
      %dma_wait3A_119 = tpu.memref_slice %arg2[%dma_wait3A_118, %mul3A_2] : memref<4x4096xi32, #tpu.memory_space<hbm>> -> memref<4x128xi32, #tpu.memory_space<hbm>>
      tpu.wait_dma2 semaphore(%run_scoped3A : memref<!tpu.dma_semaphore, #tpu.memory_space<semaphore_mem>>) src(%dma_wait3A_119 : memref<4x128xi32, #tpu.memory_space<hbm>>) dst(%arg6 : memref<4x128xi32, #tpu.memory_space<vmem>>)
      tpu.yield
    }) : () -> ()
    %add3A_3 = arith.constant 0 : i32
    %add3A_4 = arith.addi %mul3A_2, %add3A_3 : i32
    %dma_start3A = arith.constant 0 : i32
    %dma_start3A_5 = arith.constant 0 : i32
    %dma_start3A_6 = arith.constant 0 : i32
    %dma_start3A_7 = arith.constant 0 : i32
    %dma_start3A_8 = tpu.memref_slice %arg8[%dma_start3A, %dma_start3A_6, %dma_start3A_7] : memref<2x16x1024xf32, #tpu.memory_space<vmem>> -> memref<1x16x1024xf32, #tpu.memory_space<vmem>>
    %dma_start3A_9 = tpu.memref_squeeze %dma_start3A_8 : memref<1x16x1024xf32, #tpu.memory_space<vmem>> -> memref<16x1024xf32, #tpu.memory_space<vmem>>
    %dma_start3A_10 = arith.constant 0 : i32
    %dma_start3A_11 = tpu.memref_slice %arg4[%add3A_4, %dma_start3A_10] : memref<4096x1024xf32, #tpu.memory_space<hbm>> -> memref<16x1024xf32, #tpu.memory_space<hbm>>
    %dma_start3A_12 = tpu.memref_slice %arg11[%dma_start3A_5] : memref<2x!tpu.dma_semaphore, #tpu.memory_space<semaphore_mem>> -> memref<1x!tpu.dma_semaphore, #tpu.memory_space<semaphore_mem>>
    %dma_start3A_13 = tpu.memref_squeeze %dma_start3A_12 : memref<1x!tpu.dma_semaphore, #tpu.memory_space<semaphore_mem>> -> memref<!tpu.dma_semaphore, #tpu.memory_space<semaphore_mem>>
    %dma_start3A_14 = arith.constant 0 : i32
    %dma_start3A_15 = arith.constant 0 : i32
    %dma_start3A_16 = tpu.memref_slice %arg8[%dma_start3A, %dma_start3A_14, %dma_start3A_15] : memref<2x16x1024xf32, #tpu.memory_space<vmem>> -> memref<1x16x1024xf32, #tpu.memory_space<vmem>>
    %dma_start3A_17 = tpu.memref_squeeze %dma_start3A_16 : memref<1x16x1024xf32, #tpu.memory_space<vmem>> -> memref<16x1024xf32, #tpu.memory_space<vmem>>
    %dma_start3A_18 = arith.constant 0 : i32
    %dma_start3A_19 = tpu.memref_slice %arg4[%add3A_4, %dma_start3A_18] : memref<4096x1024xf32, #tpu.memory_space<hbm>> -> memref<16x1024xf32, #tpu.memory_space<hbm>>
    tpu.enqueue_dma source(%dma_start3A_19 : memref<16x1024xf32, #tpu.memory_space<hbm>>) target(%dma_start3A_17 : memref<16x1024xf32, #tpu.memory_space<vmem>>) target_semaphore(%dma_start3A_13 : memref<!tpu.dma_semaphore, #tpu.memory_space<semaphore_mem>>)
    %add3A_20 = arith.constant 16 : i32
    %add3A_21 = arith.addi %mul3A_2, %add3A_20 : i32
    %dma_start3A_22 = arith.constant 1 : i32
    %dma_start3A_23 = arith.constant 1 : i32
    %dma_start3A_24 = arith.constant 0 : i32
    %dma_start3A_25 = arith.constant 0 : i32
    %dma_start3A_26 = tpu.memref_slice %arg8[%dma_start3A_22, %dma_start3A_24, %dma_start3A_25] : memref<2x16x1024xf32, #tpu.memory_space<vmem>> -> memref<1x16x1024xf32, #tpu.memory_space<vmem>>
    %dma_start3A_27 = tpu.memref_squeeze %dma_start3A_26 : memref<1x16x1024xf32, #tpu.memory_space<vmem>> -> memref<16x1024xf32, #tpu.memory_space<vmem>>
    %dma_start3A_28 = arith.constant 0 : i32
    %dma_start3A_29 = tpu.memref_slice %arg4[%add3A_21, %dma_start3A_28] : memref<4096x1024xf32, #tpu.memory_space<hbm>> -> memref<16x1024xf32, #tpu.memory_space<hbm>>
    %dma_start3A_30 = tpu.memref_slice %arg11[%dma_start3A_23] : memref<2x!tpu.dma_semaphore, #tpu.memory_space<semaphore_mem>> -> memref<1x!tpu.dma_semaphore, #tpu.memory_space<semaphore_mem>>
    %dma_start3A_31 = tpu.memref_squeeze %dma_start3A_30 : memref<1x!tpu.dma_semaphore, #tpu.memory_space<semaphore_mem>> -> memref<!tpu.dma_semaphore, #tpu.memory_space<semaphore_mem>>
    %dma_start3A_32 = arith.constant 0 : i32
    %dma_start3A_33 = arith.constant 0 : i32
    %dma_start3A_34 = tpu.memref_slice %arg8[%dma_start3A_22, %dma_start3A_32, %dma_start3A_33] : memref<2x16x1024xf32, #tpu.memory_space<vmem>> -> memref<1x16x1024xf32, #tpu.memory_space<vmem>>
    %dma_start3A_35 = tpu.memref_squeeze %dma_start3A_34 : memref<1x16x1024xf32, #tpu.memory_space<vmem>> -> memref<16x1024xf32, #tpu.memory_space<vmem>>
    %dma_start3A_36 = arith.constant 0 : i32
    %dma_start3A_37 = tpu.memref_slice %arg4[%add3A_21, %dma_start3A_36] : memref<4096x1024xf32, #tpu.memory_space<hbm>> -> memref<16x1024xf32, #tpu.memory_space<hbm>>
    tpu.enqueue_dma source(%dma_start3A_37 : memref<16x1024xf32, #tpu.memory_space<hbm>>) target(%dma_start3A_35 : memref<16x1024xf32, #tpu.memory_space<vmem>>) target_semaphore(%dma_start3A_31 : memref<!tpu.dma_semaphore, #tpu.memory_space<semaphore_mem>>)
    %dma_start3A_38 = arith.constant 0 : i32
    %dma_start3A_39 = arith.constant 0 : i32
    %dma_start3A_40 = arith.constant 0 : i32
    %dma_start3A_41 = arith.constant 0 : i32
    %dma_start3A_42 = arith.constant 0 : i32
    %dma_start3A_43 = tpu.memref_slice %arg7[%dma_start3A_39, %dma_start3A_41, %dma_start3A_42] : memref<4x16x1024xf32, #tpu.memory_space<vmem>> -> memref<1x16x1024xf32, #tpu.memory_space<vmem>>
    %dma_start3A_44 = tpu.memref_squeeze %dma_start3A_43 : memref<1x16x1024xf32, #tpu.memory_space<vmem>> -> memref<16x1024xf32, #tpu.memory_space<vmem>>
    %dma_start3A_45 = arith.constant 0 : i32
    %dma_start3A_46 = tpu.memref_slice %arg6[%dma_start3A_38, %dma_start3A_45] : memref<4x128xi32, #tpu.memory_space<vmem>> -> memref<1x16xi32, #tpu.memory_space<vmem>>
    %dma_start3A_47 = tpu.memref_squeeze %dma_start3A_46 : memref<1x16xi32, #tpu.memory_space<vmem>> -> memref<16xi32, #tpu.memory_space<vmem>>
    %dma_start3A_48 = arith.constant 0 : i32
    %dma_start3A_49 = arith.constant 0 : i32
    %dma_start3A_50 = tpu.memref_slice %arg3[%dma_start3A_48, %dma_start3A_49] : memref<50257x1024xf32, #tpu.memory_space<hbm>> -> memref<50257x1024xf32, #tpu.memory_space<hbm>>
    %dma_start3A_51 = tpu.memref_slice %arg9[%dma_start3A_40] : memref<4x!tpu.dma_semaphore, #tpu.memory_space<semaphore_mem>> -> memref<1x!tpu.dma_semaphore, #tpu.memory_space<semaphore_mem>>
    %dma_start3A_52 = tpu.memref_squeeze %dma_start3A_51 : memref<1x!tpu.dma_semaphore, #tpu.memory_space<semaphore_mem>> -> memref<!tpu.dma_semaphore, #tpu.memory_space<semaphore_mem>>
    tpu.enqueue_indirect_dma source(%dma_start3A_50 : memref<50257x1024xf32, #tpu.memory_space<hbm>>) target(%dma_start3A_44 : memref<16x1024xf32, #tpu.memory_space<vmem>>) offsets(%dma_start3A_47 : memref<16xi32, #tpu.memory_space<vmem>>) semaphore(%dma_start3A_52 : memref<!tpu.dma_semaphore, #tpu.memory_space<semaphore_mem>>)
    %dma_start3A_53 = arith.constant 1 : i32
    %dma_start3A_54 = arith.constant 1 : i32
    %dma_start3A_55 = arith.constant 1 : i32
    %dma_start3A_56 = arith.constant 0 : i32
    %dma_start3A_57 = arith.constant 0 : i32
    %dma_start3A_58 = tpu.memref_slice %arg7[%dma_start3A_54, %dma_start3A_56, %dma_start3A_57] : memref<4x16x1024xf32, #tpu.memory_space<vmem>> -> memref<1x16x1024xf32, #tpu.memory_space<vmem>>
    %dma_start3A_59 = tpu.memref_squeeze %dma_start3A_58 : memref<1x16x1024xf32, #tpu.memory_space<vmem>> -> memref<16x1024xf32, #tpu.memory_space<vmem>>
    %dma_start3A_60 = arith.constant 0 : i32
    %dma_start3A_61 = tpu.memref_slice %arg6[%dma_start3A_53, %dma_start3A_60] : memref<4x128xi32, #tpu.memory_space<vmem>> -> memref<1x16xi32, #tpu.memory_space<vmem>>
    %dma_start3A_62 = tpu.memref_squeeze %dma_start3A_61 : memref<1x16xi32, #tpu.memory_space<vmem>> -> memref<16xi32, #tpu.memory_space<vmem>>
    %dma_start3A_63 = arith.constant 0 : i32
    %dma_start3A_64 = arith.constant 0 : i32
    %dma_start3A_65 = tpu.memref_slice %arg3[%dma_start3A_63, %dma_start3A_64] : memref<50257x1024xf32, #tpu.memory_space<hbm>> -> memref<50257x1024xf32, #tpu.memory_space<hbm>>
    %dma_start3A_66 = tpu.memref_slice %arg9[%dma_start3A_55] : memref<4x!tpu.dma_semaphore, #tpu.memory_space<semaphore_mem>> -> memref<1x!tpu.dma_semaphore, #tpu.memory_space<semaphore_mem>>
    %dma_start3A_67 = tpu.memref_squeeze %dma_start3A_66 : memref<1x!tpu.dma_semaphore, #tpu.memory_space<semaphore_mem>> -> memref<!tpu.dma_semaphore, #tpu.memory_space<semaphore_mem>>
    tpu.enqueue_indirect_dma source(%dma_start3A_65 : memref<50257x1024xf32, #tpu.memory_space<hbm>>) target(%dma_start3A_59 : memref<16x1024xf32, #tpu.memory_space<vmem>>) offsets(%dma_start3A_62 : memref<16xi32, #tpu.memory_space<vmem>>) semaphore(%dma_start3A_67 : memref<!tpu.dma_semaphore, #tpu.memory_space<semaphore_mem>>)
    %scan3A = arith.constant 0 : i32
    %scan3A_68 = arith.constant 0 : i32
    %scan3A_69 = arith.constant 32 : i32
    %scan3A_70 = arith.addi %scan3A_68, %scan3A_69 : i32
    %scan3A_71 = arith.constant 1 : i32
    scf.for %scan3A_112 = %scan3A_68 to %scan3A_70 step %scan3A_71  : i32 {
      %jit3A = arith.constant 4 : i32
      %div3A = arith.divsi %scan3A_112, %jit3A : i32
      %sign3A = arith.constant 0 : i32
      %sign3A_113 = arith.cmpi sgt, %scan3A_112, %sign3A : i32
      %sign3A_114 = arith.extui %sign3A_113 : i1 to i32
      %sign3A_115 = arith.constant 0 : i32
      %sign3A_116 = arith.cmpi slt, %scan3A_112, %sign3A_115 : i32
      %sign3A_117 = arith.extui %sign3A_116 : i1 to i32
      %sign3A_118 = arith.subi %sign3A_114, %sign3A_117 : i32
      %sign3A_119 = arith.constant 0 : i32
      %sign3A_120 = arith.cmpi sgt, %jit3A, %sign3A_119 : i32
      %sign3A_121 = arith.extui %sign3A_120 : i1 to i32
      %sign3A_122 = arith.constant 0 : i32
      %sign3A_123 = arith.cmpi slt, %jit3A, %sign3A_122 : i32
      %sign3A_124 = arith.extui %sign3A_123 : i1 to i32
      %sign3A_125 = arith.subi %sign3A_121, %sign3A_124 : i32
      %ne3A = arith.cmpi ne, %sign3A_118, %sign3A_125 : i32
      %rem3A = arith.remsi %scan3A_112, %jit3A : i32
      %ne3A_126 = arith.constant 0 : i32
      %ne3A_127 = arith.cmpi ne, %rem3A, %ne3A_126 : i32
      %and3A = arith.andi %ne3A, %ne3A_127 : i1
      %sub3A = arith.constant 1 : i32
      %sub3A_128 = arith.subi %div3A, %sub3A : i32
      %select_n3A = arith.select %and3A, %sub3A_128, %div3A : i32
      %jit3A_129 = arith.constant 4 : i32
      %eq3A = arith.constant 0 : i32
      %eq3A_130 = arith.cmpi eq, %jit3A_129, %eq3A : i32
      %jit3A_131 = arith.constant 1 : i32
      %select_n3A_132 = arith.select %eq3A_130, %jit3A_131, %jit3A_129 : i32
      %rem3A_133 = arith.remsi %scan3A_112, %select_n3A_132 : i32
      %ne3A_134 = arith.constant 0 : i32
      %ne3A_135 = arith.cmpi ne, %rem3A_133, %ne3A_134 : i32
      %lt3A = arith.constant 0 : i32
      %lt3A_136 = arith.cmpi slt, %rem3A_133, %lt3A : i32
      %lt3A_137 = arith.constant 0 : i32
      %lt3A_138 = arith.cmpi slt, %select_n3A_132, %lt3A_137 : i32
      %ne3A_139 = arith.xori %lt3A_136, %lt3A_138 : i1
      %and3A_140 = arith.andi %ne3A_139, %ne3A_135 : i1
      %add3A_141 = arith.addi %rem3A_133, %select_n3A_132 : i32
      %select_n3A_142 = arith.select %and3A_140, %add3A_141, %rem3A_133 : i32
      %jit3A_143 = arith.constant 4 : i32
      %eq3A_144 = arith.constant 0 : i32
      %eq3A_145 = arith.cmpi eq, %jit3A_143, %eq3A_144 : i32
      %jit3A_146 = arith.constant 1 : i32
      %select_n3A_147 = arith.select %eq3A_145, %jit3A_146, %jit3A_143 : i32
      %rem3A_148 = arith.remsi %scan3A_112, %select_n3A_147 : i32
      %ne3A_149 = arith.constant 0 : i32
      %ne3A_150 = arith.cmpi ne, %rem3A_148, %ne3A_149 : i32
      %lt3A_151 = arith.constant 0 : i32
      %lt3A_152 = arith.cmpi slt, %rem3A_148, %lt3A_151 : i32
      %lt3A_153 = arith.constant 0 : i32
      %lt3A_154 = arith.cmpi slt, %select_n3A_147, %lt3A_153 : i32
      %ne3A_155 = arith.xori %lt3A_152, %lt3A_154 : i1
      %and3A_156 = arith.andi %ne3A_155, %ne3A_150 : i1
      %add3A_157 = arith.addi %rem3A_148, %select_n3A_147 : i32
      %select_n3A_158 = arith.select %and3A_156, %add3A_157, %rem3A_148 : i32
      %ge3A = arith.constant 2 : i32
      %ge3A_159 = arith.cmpi sge, %scan3A_112, %ge3A : i32
      %convert_element_type3A = arith.extui %ge3A_159 : i1 to i32
      %cond3A = arith.constant 0 : i32
      %cond3A_160 = arith.cmpi ne, %convert_element_type3A, %cond3A : i32
      scf.if %cond3A_160 {
        %sub3A_346 = arith.constant 2 : i32
        %sub3A_347 = arith.subi %scan3A_112, %sub3A_346 : i32
        %jit3A_348 = arith.constant 4 : i32
        %div3A_349 = arith.divsi %sub3A_347, %jit3A_348 : i32
        %sign3A_350 = arith.constant 0 : i32
        %sign3A_351 = arith.cmpi sgt, %sub3A_347, %sign3A_350 : i32
        %sign3A_352 = arith.extui %sign3A_351 : i1 to i32
        %sign3A_353 = arith.constant 0 : i32
        %sign3A_354 = arith.cmpi slt, %sub3A_347, %sign3A_353 : i32
        %sign3A_355 = arith.extui %sign3A_354 : i1 to i32
        %sign3A_356 = arith.subi %sign3A_352, %sign3A_355 : i32
        %sign3A_357 = arith.constant 0 : i32
        %sign3A_358 = arith.cmpi sgt, %jit3A_348, %sign3A_357 : i32
        %sign3A_359 = arith.extui %sign3A_358 : i1 to i32
        %sign3A_360 = arith.constant 0 : i32
        %sign3A_361 = arith.cmpi slt, %jit3A_348, %sign3A_360 : i32
        %sign3A_362 = arith.extui %sign3A_361 : i1 to i32
        %sign3A_363 = arith.subi %sign3A_359, %sign3A_362 : i32
        %ne3A_364 = arith.cmpi ne, %sign3A_356, %sign3A_363 : i32
        %rem3A_365 = arith.remsi %sub3A_347, %jit3A_348 : i32
        %ne3A_366 = arith.constant 0 : i32
        %ne3A_367 = arith.cmpi ne, %rem3A_365, %ne3A_366 : i32
        %and3A_368 = arith.andi %ne3A_364, %ne3A_367 : i1
        %sub3A_369 = arith.constant 1 : i32
        %sub3A_370 = arith.subi %div3A_349, %sub3A_369 : i32
        %select_n3A_371 = arith.select %and3A_368, %sub3A_370, %div3A_349 : i32
        %jit3A_372 = arith.constant 4 : i32
        %eq3A_373 = arith.constant 0 : i32
        %eq3A_374 = arith.cmpi eq, %jit3A_372, %eq3A_373 : i32
        %jit3A_375 = arith.constant 1 : i32
        %select_n3A_376 = arith.select %eq3A_374, %jit3A_375, %jit3A_372 : i32
        %rem3A_377 = arith.remsi %sub3A_347, %select_n3A_376 : i32
        %ne3A_378 = arith.constant 0 : i32
        %ne3A_379 = arith.cmpi ne, %rem3A_377, %ne3A_378 : i32
        %lt3A_380 = arith.constant 0 : i32
        %lt3A_381 = arith.cmpi slt, %rem3A_377, %lt3A_380 : i32
        %lt3A_382 = arith.constant 0 : i32
        %lt3A_383 = arith.cmpi slt, %select_n3A_376, %lt3A_382 : i32
        %ne3A_384 = arith.xori %lt3A_381, %lt3A_383 : i1
        %and3A_385 = arith.andi %ne3A_384, %ne3A_379 : i1
        %add3A_386 = arith.addi %rem3A_377, %select_n3A_376 : i32
        %select_n3A_387 = arith.select %and3A_385, %add3A_386, %rem3A_377 : i32
        %jit3A_388 = arith.constant 4 : i32
        %eq3A_389 = arith.constant 0 : i32
        %eq3A_390 = arith.cmpi eq, %jit3A_388, %eq3A_389 : i32
        %jit3A_391 = arith.constant 1 : i32
        %select_n3A_392 = arith.select %eq3A_390, %jit3A_391, %jit3A_388 : i32
        %rem3A_393 = arith.remsi %sub3A_347, %select_n3A_392 : i32
        %ne3A_394 = arith.constant 0 : i32
        %ne3A_395 = arith.cmpi ne, %rem3A_393, %ne3A_394 : i32
        %lt3A_396 = arith.constant 0 : i32
        %lt3A_397 = arith.cmpi slt, %rem3A_393, %lt3A_396 : i32
        %lt3A_398 = arith.constant 0 : i32
        %lt3A_399 = arith.cmpi slt, %select_n3A_392, %lt3A_398 : i32
        %ne3A_400 = arith.xori %lt3A_397, %lt3A_399 : i1
        %and3A_401 = arith.andi %ne3A_400, %ne3A_395 : i1
        %add3A_402 = arith.addi %rem3A_393, %select_n3A_392 : i32
        %select_n3A_403 = arith.select %and3A_401, %add3A_402, %rem3A_393 : i32
        %mul3A_404 = arith.constant 4096 : i32
        %mul3A_405 = arith.muli %select_n3A_387, %mul3A_404 : i32
        %add3A_406 = arith.addi %mul3A_405, %mul3A_2 : i32
        %mul3A_407 = arith.constant 16 : i32
        %mul3A_408 = arith.muli %select_n3A_371, %mul3A_407 : i32
        %add3A_409 = arith.addi %add3A_406, %mul3A_408 : i32
        %dma_wait3A_410 = arith.constant 0 : i32
        %dma_wait3A_411 = arith.constant 0 : i32
        %dma_wait3A_412 = tpu.memref_slice %arg7[%select_n3A_403, %dma_wait3A_410, %dma_wait3A_411] : memref<4x16x1024xf32, #tpu.memory_space<vmem>> -> memref<1x16x1024xf32, #tpu.memory_space<vmem>>
        %dma_wait3A_413 = tpu.memref_squeeze %dma_wait3A_412 : memref<1x16x1024xf32, #tpu.memory_space<vmem>> -> memref<16x1024xf32, #tpu.memory_space<vmem>>
        %dma_wait3A_414 = arith.constant 0 : i32
        %dma_wait3A_415 = tpu.memref_slice %arg5[%add3A_409, %dma_wait3A_414] : memref<16384x1024xf32, #tpu.memory_space<hbm>> -> memref<16x1024xf32, #tpu.memory_space<hbm>>
        %dma_wait3A_416 = tpu.memref_slice %arg10[%select_n3A_403] : memref<4x!tpu.dma_semaphore, #tpu.memory_space<semaphore_mem>> -> memref<1x!tpu.dma_semaphore, #tpu.memory_space<semaphore_mem>>
        %dma_wait3A_417 = tpu.memref_squeeze %dma_wait3A_416 : memref<1x!tpu.dma_semaphore, #tpu.memory_space<semaphore_mem>> -> memref<!tpu.dma_semaphore, #tpu.memory_space<semaphore_mem>>
        %dma_wait3A_418 = arith.constant 0 : i32
        %dma_wait3A_419 = tpu.memref_slice %arg5[%add3A_409, %dma_wait3A_418] : memref<16384x1024xf32, #tpu.memory_space<hbm>> -> memref<16x1024xf32, #tpu.memory_space<hbm>>
        %dma_wait3A_420 = arith.constant 0 : i32
        %dma_wait3A_421 = arith.constant 0 : i32
        %dma_wait3A_422 = tpu.memref_slice %arg7[%select_n3A_403, %dma_wait3A_420, %dma_wait3A_421] : memref<4x16x1024xf32, #tpu.memory_space<vmem>> -> memref<1x16x1024xf32, #tpu.memory_space<vmem>>
        %dma_wait3A_423 = tpu.memref_squeeze %dma_wait3A_422 : memref<1x16x1024xf32, #tpu.memory_space<vmem>> -> memref<16x1024xf32, #tpu.memory_space<vmem>>
        tpu.wait_dma2 semaphore(%dma_wait3A_417 : memref<!tpu.dma_semaphore, #tpu.memory_space<semaphore_mem>>) src(%dma_wait3A_423 : memref<16x1024xf32, #tpu.memory_space<vmem>>) dst(%dma_wait3A_419 : memref<16x1024xf32, #tpu.memory_space<hbm>>)
      } else {
      }
      %add3A_161 = arith.constant 2 : i32
      %add3A_162 = arith.addi %scan3A_112, %add3A_161 : i32
      %lt3A_163 = arith.constant 32 : i32
      %lt3A_164 = arith.cmpi slt, %add3A_162, %lt3A_163 : i32
      %convert_element_type3A_165 = arith.extui %lt3A_164 : i1 to i32
      %cond3A_166 = arith.constant 0 : i32
      %cond3A_167 = arith.cmpi ne, %convert_element_type3A_165, %cond3A_166 : i32
      scf.if %cond3A_167 {
        %add3A_346 = arith.constant 2 : i32
        %add3A_347 = arith.addi %scan3A_112, %add3A_346 : i32
        %jit3A_348 = arith.constant 4 : i32
        %div3A_349 = arith.divsi %add3A_347, %jit3A_348 : i32
        %sign3A_350 = arith.constant 0 : i32
        %sign3A_351 = arith.cmpi sgt, %add3A_347, %sign3A_350 : i32
        %sign3A_352 = arith.extui %sign3A_351 : i1 to i32
        %sign3A_353 = arith.constant 0 : i32
        %sign3A_354 = arith.cmpi slt, %add3A_347, %sign3A_353 : i32
        %sign3A_355 = arith.extui %sign3A_354 : i1 to i32
        %sign3A_356 = arith.subi %sign3A_352, %sign3A_355 : i32
        %sign3A_357 = arith.constant 0 : i32
        %sign3A_358 = arith.cmpi sgt, %jit3A_348, %sign3A_357 : i32
        %sign3A_359 = arith.extui %sign3A_358 : i1 to i32
        %sign3A_360 = arith.constant 0 : i32
        %sign3A_361 = arith.cmpi slt, %jit3A_348, %sign3A_360 : i32
        %sign3A_362 = arith.extui %sign3A_361 : i1 to i32
        %sign3A_363 = arith.subi %sign3A_359, %sign3A_362 : i32
        %ne3A_364 = arith.cmpi ne, %sign3A_356, %sign3A_363 : i32
        %rem3A_365 = arith.remsi %add3A_347, %jit3A_348 : i32
        %ne3A_366 = arith.constant 0 : i32
        %ne3A_367 = arith.cmpi ne, %rem3A_365, %ne3A_366 : i32
        %and3A_368 = arith.andi %ne3A_364, %ne3A_367 : i1
        %sub3A_369 = arith.constant 1 : i32
        %sub3A_370 = arith.subi %div3A_349, %sub3A_369 : i32
        %select_n3A_371 = arith.select %and3A_368, %sub3A_370, %div3A_349 : i32
        %jit3A_372 = arith.constant 4 : i32
        %eq3A_373 = arith.constant 0 : i32
        %eq3A_374 = arith.cmpi eq, %jit3A_372, %eq3A_373 : i32
        %jit3A_375 = arith.constant 1 : i32
        %select_n3A_376 = arith.select %eq3A_374, %jit3A_375, %jit3A_372 : i32
        %rem3A_377 = arith.remsi %add3A_347, %select_n3A_376 : i32
        %ne3A_378 = arith.constant 0 : i32
        %ne3A_379 = arith.cmpi ne, %rem3A_377, %ne3A_378 : i32
        %lt3A_380 = arith.constant 0 : i32
        %lt3A_381 = arith.cmpi slt, %rem3A_377, %lt3A_380 : i32
        %lt3A_382 = arith.constant 0 : i32
        %lt3A_383 = arith.cmpi slt, %select_n3A_376, %lt3A_382 : i32
        %ne3A_384 = arith.xori %lt3A_381, %lt3A_383 : i1
        %and3A_385 = arith.andi %ne3A_384, %ne3A_379 : i1
        %add3A_386 = arith.addi %rem3A_377, %select_n3A_376 : i32
        %select_n3A_387 = arith.select %and3A_385, %add3A_386, %rem3A_377 : i32
        %jit3A_388 = arith.constant 4 : i32
        %eq3A_389 = arith.constant 0 : i32
        %eq3A_390 = arith.cmpi eq, %jit3A_388, %eq3A_389 : i32
        %jit3A_391 = arith.constant 1 : i32
        %select_n3A_392 = arith.select %eq3A_390, %jit3A_391, %jit3A_388 : i32
        %rem3A_393 = arith.remsi %add3A_347, %select_n3A_392 : i32
        %ne3A_394 = arith.constant 0 : i32
        %ne3A_395 = arith.cmpi ne, %rem3A_393, %ne3A_394 : i32
        %lt3A_396 = arith.constant 0 : i32
        %lt3A_397 = arith.cmpi slt, %rem3A_393, %lt3A_396 : i32
        %lt3A_398 = arith.constant 0 : i32
        %lt3A_399 = arith.cmpi slt, %select_n3A_392, %lt3A_398 : i32
        %ne3A_400 = arith.xori %lt3A_397, %lt3A_399 : i1
        %and3A_401 = arith.andi %ne3A_400, %ne3A_395 : i1
        %add3A_402 = arith.addi %rem3A_393, %select_n3A_392 : i32
        %select_n3A_403 = arith.select %and3A_401, %add3A_402, %rem3A_393 : i32
        %mul3A_404 = arith.constant 16 : i32
        %mul3A_405 = arith.muli %select_n3A_371, %mul3A_404 : i32
        %dma_start3A_406 = arith.constant 0 : i32
        %dma_start3A_407 = arith.constant 0 : i32
        %dma_start3A_408 = tpu.memref_slice %arg7[%select_n3A_403, %dma_start3A_406, %dma_start3A_407] : memref<4x16x1024xf32, #tpu.memory_space<vmem>> -> memref<1x16x1024xf32, #tpu.memory_space<vmem>>
        %dma_start3A_409 = tpu.memref_squeeze %dma_start3A_408 : memref<1x16x1024xf32, #tpu.memory_space<vmem>> -> memref<16x1024xf32, #tpu.memory_space<vmem>>
        %dma_start3A_410 = tpu.memref_slice %arg6[%select_n3A_387, %mul3A_405] : memref<4x128xi32, #tpu.memory_space<vmem>> -> memref<1x16xi32, #tpu.memory_space<vmem>>
        %dma_start3A_411 = tpu.memref_squeeze %dma_start3A_410 : memref<1x16xi32, #tpu.memory_space<vmem>> -> memref<16xi32, #tpu.memory_space<vmem>>
        %dma_start3A_412 = arith.constant 0 : i32
        %dma_start3A_413 = arith.constant 0 : i32
        %dma_start3A_414 = tpu.memref_slice %arg3[%dma_start3A_412, %dma_start3A_413] : memref<50257x1024xf32, #tpu.memory_space<hbm>> -> memref<50257x1024xf32, #tpu.memory_space<hbm>>
        %dma_start3A_415 = tpu.memref_slice %arg9[%select_n3A_403] : memref<4x!tpu.dma_semaphore, #tpu.memory_space<semaphore_mem>> -> memref<1x!tpu.dma_semaphore, #tpu.memory_space<semaphore_mem>>
        %dma_start3A_416 = tpu.memref_squeeze %dma_start3A_415 : memref<1x!tpu.dma_semaphore, #tpu.memory_space<semaphore_mem>> -> memref<!tpu.dma_semaphore, #tpu.memory_space<semaphore_mem>>
        tpu.enqueue_indirect_dma source(%dma_start3A_414 : memref<50257x1024xf32, #tpu.memory_space<hbm>>) target(%dma_start3A_409 : memref<16x1024xf32, #tpu.memory_space<vmem>>) offsets(%dma_start3A_411 : memref<16xi32, #tpu.memory_space<vmem>>) semaphore(%dma_start3A_416 : memref<!tpu.dma_semaphore, #tpu.memory_space<semaphore_mem>>)
      } else {
      }
      %jit3A_168 = arith.constant 4 : i32
      %div3A_169 = arith.divsi %scan3A_112, %jit3A_168 : i32
      %sign3A_170 = arith.constant 0 : i32
      %sign3A_171 = arith.cmpi sgt, %scan3A_112, %sign3A_170 : i32
      %sign3A_172 = arith.extui %sign3A_171 : i1 to i32
      %sign3A_173 = arith.constant 0 : i32
      %sign3A_174 = arith.cmpi slt, %scan3A_112, %sign3A_173 : i32
      %sign3A_175 = arith.extui %sign3A_174 : i1 to i32
      %sign3A_176 = arith.subi %sign3A_172, %sign3A_175 : i32
      %sign3A_177 = arith.constant 0 : i32
      %sign3A_178 = arith.cmpi sgt, %jit3A_168, %sign3A_177 : i32
      %sign3A_179 = arith.extui %sign3A_178 : i1 to i32
      %sign3A_180 = arith.constant 0 : i32
      %sign3A_181 = arith.cmpi slt, %jit3A_168, %sign3A_180 : i32
      %sign3A_182 = arith.extui %sign3A_181 : i1 to i32
      %sign3A_183 = arith.subi %sign3A_179, %sign3A_182 : i32
      %ne3A_184 = arith.cmpi ne, %sign3A_176, %sign3A_183 : i32
      %rem3A_185 = arith.remsi %scan3A_112, %jit3A_168 : i32
      %ne3A_186 = arith.constant 0 : i32
      %ne3A_187 = arith.cmpi ne, %rem3A_185, %ne3A_186 : i32
      %and3A_188 = arith.andi %ne3A_184, %ne3A_187 : i1
      %sub3A_189 = arith.constant 1 : i32
      %sub3A_190 = arith.subi %div3A_169, %sub3A_189 : i32
      %select_n3A_191 = arith.select %and3A_188, %sub3A_190, %div3A_169 : i32
      %jit3A_192 = arith.constant 4 : i32
      %eq3A_193 = arith.constant 0 : i32
      %eq3A_194 = arith.cmpi eq, %jit3A_192, %eq3A_193 : i32
      %jit3A_195 = arith.constant 1 : i32
      %select_n3A_196 = arith.select %eq3A_194, %jit3A_195, %jit3A_192 : i32
      %rem3A_197 = arith.remsi %scan3A_112, %select_n3A_196 : i32
      %ne3A_198 = arith.constant 0 : i32
      %ne3A_199 = arith.cmpi ne, %rem3A_197, %ne3A_198 : i32
      %lt3A_200 = arith.constant 0 : i32
      %lt3A_201 = arith.cmpi slt, %rem3A_197, %lt3A_200 : i32
      %lt3A_202 = arith.constant 0 : i32
      %lt3A_203 = arith.cmpi slt, %select_n3A_196, %lt3A_202 : i32
      %ne3A_204 = arith.xori %lt3A_201, %lt3A_203 : i1
      %and3A_205 = arith.andi %ne3A_204, %ne3A_199 : i1
      %add3A_206 = arith.addi %rem3A_197, %select_n3A_196 : i32
      %select_n3A_207 = arith.select %and3A_205, %add3A_206, %rem3A_197 : i32
      %jit3A_208 = arith.constant 4 : i32
      %eq3A_209 = arith.constant 0 : i32
      %eq3A_210 = arith.cmpi eq, %jit3A_208, %eq3A_209 : i32
      %jit3A_211 = arith.constant 1 : i32
      %select_n3A_212 = arith.select %eq3A_210, %jit3A_211, %jit3A_208 : i32
      %rem3A_213 = arith.remsi %scan3A_112, %select_n3A_212 : i32
      %ne3A_214 = arith.constant 0 : i32
      %ne3A_215 = arith.cmpi ne, %rem3A_213, %ne3A_214 : i32
      %lt3A_216 = arith.constant 0 : i32
      %lt3A_217 = arith.cmpi slt, %rem3A_213, %lt3A_216 : i32
      %lt3A_218 = arith.constant 0 : i32
      %lt3A_219 = arith.cmpi slt, %select_n3A_212, %lt3A_218 : i32
      %ne3A_220 = arith.xori %lt3A_217, %lt3A_219 : i1
      %and3A_221 = arith.andi %ne3A_220, %ne3A_215 : i1
      %add3A_222 = arith.addi %rem3A_213, %select_n3A_212 : i32
      %select_n3A_223 = arith.select %and3A_221, %add3A_222, %rem3A_213 : i32
      %mul3A_224 = arith.constant 16 : i32
      %mul3A_225 = arith.muli %select_n3A_191, %mul3A_224 : i32
      %dma_wait3A_226 = arith.constant 0 : i32
      %dma_wait3A_227 = arith.constant 0 : i32
      %dma_wait3A_228 = tpu.memref_slice %arg7[%select_n3A_223, %dma_wait3A_226, %dma_wait3A_227] : memref<4x16x1024xf32, #tpu.memory_space<vmem>> -> memref<1x16x1024xf32, #tpu.memory_space<vmem>>
      %dma_wait3A_229 = tpu.memref_squeeze %dma_wait3A_228 : memref<1x16x1024xf32, #tpu.memory_space<vmem>> -> memref<16x1024xf32, #tpu.memory_space<vmem>>
      %dma_wait3A_230 = tpu.memref_slice %arg6[%select_n3A_207, %mul3A_225] : memref<4x128xi32, #tpu.memory_space<vmem>> -> memref<1x16xi32, #tpu.memory_space<vmem>>
      %dma_wait3A_231 = tpu.memref_squeeze %dma_wait3A_230 : memref<1x16xi32, #tpu.memory_space<vmem>> -> memref<16xi32, #tpu.memory_space<vmem>>
      %dma_wait3A_232 = arith.constant 0 : i32
      %dma_wait3A_233 = arith.constant 0 : i32
      %dma_wait3A_234 = tpu.memref_slice %arg3[%dma_wait3A_232, %dma_wait3A_233] : memref<50257x1024xf32, #tpu.memory_space<hbm>> -> memref<50257x1024xf32, #tpu.memory_space<hbm>>
      %dma_wait3A_235 = tpu.memref_slice %arg9[%select_n3A_223] : memref<4x!tpu.dma_semaphore, #tpu.memory_space<semaphore_mem>> -> memref<1x!tpu.dma_semaphore, #tpu.memory_space<semaphore_mem>>
      %dma_wait3A_236 = tpu.memref_squeeze %dma_wait3A_235 : memref<1x!tpu.dma_semaphore, #tpu.memory_space<semaphore_mem>> -> memref<!tpu.dma_semaphore, #tpu.memory_space<semaphore_mem>>
      tpu.wait_indirect_dma semaphore(%dma_wait3A_236 : memref<!tpu.dma_semaphore, #tpu.memory_space<semaphore_mem>>) src(%dma_wait3A_234 : memref<50257x1024xf32, #tpu.memory_space<hbm>>) dst(%dma_wait3A_229 : memref<16x1024xf32, #tpu.memory_space<vmem>>)
      %eq3A_237 = arith.constant 0 : i32
      %eq3A_238 = arith.cmpi eq, %select_n3A_142, %eq3A_237 : i32
      %convert_element_type3A_239 = arith.extui %eq3A_238 : i1 to i32
      %cond3A_240 = arith.constant 0 : i32
      %cond3A_241 = arith.cmpi ne, %convert_element_type3A_239, %cond3A_240 : i32
      scf.if %cond3A_241 {
        %mul3A_346 = arith.constant 16 : i32
        %mul3A_347 = arith.muli %select_n3A, %mul3A_346 : i32
        %add3A_348 = arith.addi %mul3A_2, %mul3A_347 : i32
        %jit3A_349 = arith.constant 2 : i32
        %eq3A_350 = arith.constant 0 : i32
        %eq3A_351 = arith.cmpi eq, %jit3A_349, %eq3A_350 : i32
        %jit3A_352 = arith.constant 1 : i32
        %select_n3A_353 = arith.select %eq3A_351, %jit3A_352, %jit3A_349 : i32
        %rem3A_354 = arith.remsi %select_n3A, %select_n3A_353 : i32
        %ne3A_355 = arith.constant 0 : i32
        %ne3A_356 = arith.cmpi ne, %rem3A_354, %ne3A_355 : i32
        %lt3A_357 = arith.constant 0 : i32
        %lt3A_358 = arith.cmpi slt, %rem3A_354, %lt3A_357 : i32
        %lt3A_359 = arith.constant 0 : i32
        %lt3A_360 = arith.cmpi slt, %select_n3A_353, %lt3A_359 : i32
        %ne3A_361 = arith.xori %lt3A_358, %lt3A_360 : i1
        %and3A_362 = arith.andi %ne3A_361, %ne3A_356 : i1
        %add3A_363 = arith.addi %rem3A_354, %select_n3A_353 : i32
        %select_n3A_364 = arith.select %and3A_362, %add3A_363, %rem3A_354 : i32
        %jit3A_365 = arith.constant 2 : i32
        %eq3A_366 = arith.constant 0 : i32
        %eq3A_367 = arith.cmpi eq, %jit3A_365, %eq3A_366 : i32
        %jit3A_368 = arith.constant 1 : i32
        %select_n3A_369 = arith.select %eq3A_367, %jit3A_368, %jit3A_365 : i32
        %rem3A_370 = arith.remsi %select_n3A, %select_n3A_369 : i32
        %ne3A_371 = arith.constant 0 : i32
        %ne3A_372 = arith.cmpi ne, %rem3A_370, %ne3A_371 : i32
        %lt3A_373 = arith.constant 0 : i32
        %lt3A_374 = arith.cmpi slt, %rem3A_370, %lt3A_373 : i32
        %lt3A_375 = arith.constant 0 : i32
        %lt3A_376 = arith.cmpi slt, %select_n3A_369, %lt3A_375 : i32
        %ne3A_377 = arith.xori %lt3A_374, %lt3A_376 : i1
        %and3A_378 = arith.andi %ne3A_377, %ne3A_372 : i1
        %add3A_379 = arith.addi %rem3A_370, %select_n3A_369 : i32
        %select_n3A_380 = arith.select %and3A_378, %add3A_379, %rem3A_370 : i32
        %dma_wait3A_381 = arith.constant 0 : i32
        %dma_wait3A_382 = arith.constant 0 : i32
        %dma_wait3A_383 = tpu.memref_slice %arg8[%select_n3A_364, %dma_wait3A_381, %dma_wait3A_382] : memref<2x16x1024xf32, #tpu.memory_space<vmem>> -> memref<1x16x1024xf32, #tpu.memory_space<vmem>>
        %dma_wait3A_384 = tpu.memref_squeeze %dma_wait3A_383 : memref<1x16x1024xf32, #tpu.memory_space<vmem>> -> memref<16x1024xf32, #tpu.memory_space<vmem>>
        %dma_wait3A_385 = arith.constant 0 : i32
        %dma_wait3A_386 = tpu.memref_slice %arg4[%add3A_348, %dma_wait3A_385] : memref<4096x1024xf32, #tpu.memory_space<hbm>> -> memref<16x1024xf32, #tpu.memory_space<hbm>>
        %dma_wait3A_387 = tpu.memref_slice %arg11[%select_n3A_380] : memref<2x!tpu.dma_semaphore, #tpu.memory_space<semaphore_mem>> -> memref<1x!tpu.dma_semaphore, #tpu.memory_space<semaphore_mem>>
        %dma_wait3A_388 = tpu.memref_squeeze %dma_wait3A_387 : memref<1x!tpu.dma_semaphore, #tpu.memory_space<semaphore_mem>> -> memref<!tpu.dma_semaphore, #tpu.memory_space<semaphore_mem>>
        %dma_wait3A_389 = arith.constant 0 : i32
        %dma_wait3A_390 = arith.constant 0 : i32
        %dma_wait3A_391 = tpu.memref_slice %arg8[%select_n3A_364, %dma_wait3A_389, %dma_wait3A_390] : memref<2x16x1024xf32, #tpu.memory_space<vmem>> -> memref<1x16x1024xf32, #tpu.memory_space<vmem>>
        %dma_wait3A_392 = tpu.memref_squeeze %dma_wait3A_391 : memref<1x16x1024xf32, #tpu.memory_space<vmem>> -> memref<16x1024xf32, #tpu.memory_space<vmem>>
        %dma_wait3A_393 = arith.constant 0 : i32
        %dma_wait3A_394 = tpu.memref_slice %arg4[%add3A_348, %dma_wait3A_393] : memref<4096x1024xf32, #tpu.memory_space<hbm>> -> memref<16x1024xf32, #tpu.memory_space<hbm>>
        tpu.wait_dma2 semaphore(%dma_wait3A_388 : memref<!tpu.dma_semaphore, #tpu.memory_space<semaphore_mem>>) src(%dma_wait3A_394 : memref<16x1024xf32, #tpu.memory_space<hbm>>) dst(%dma_wait3A_392 : memref<16x1024xf32, #tpu.memory_space<vmem>>)
      } else {
      }
      %jit3A_242 = arith.constant 2 : i32
      %eq3A_243 = arith.constant 0 : i32
      %eq3A_244 = arith.cmpi eq, %jit3A_242, %eq3A_243 : i32
      %jit3A_245 = arith.constant 1 : i32
      %select_n3A_246 = arith.select %eq3A_244, %jit3A_245, %jit3A_242 : i32
      %rem3A_247 = arith.remsi %select_n3A, %select_n3A_246 : i32
      %ne3A_248 = arith.constant 0 : i32
      %ne3A_249 = arith.cmpi ne, %rem3A_247, %ne3A_248 : i32
      %lt3A_250 = arith.constant 0 : i32
      %lt3A_251 = arith.cmpi slt, %rem3A_247, %lt3A_250 : i32
      %lt3A_252 = arith.constant 0 : i32
      %lt3A_253 = arith.cmpi slt, %select_n3A_246, %lt3A_252 : i32
      %ne3A_254 = arith.xori %lt3A_251, %lt3A_253 : i1
      %and3A_255 = arith.andi %ne3A_254, %ne3A_249 : i1
      %add3A_256 = arith.addi %rem3A_247, %select_n3A_246 : i32
      %select_n3A_257 = arith.select %and3A_255, %add3A_256, %rem3A_247 : i32
      %parallel_loop3A = arith.constant 0 : i32
      %parallel_loop3A_258 = arith.constant 1024 : i32
      %parallel_loop3A_259 = arith.constant 1 : i32
      scf.for %parallel_loop3A_346 = %parallel_loop3A to %parallel_loop3A_258 step %parallel_loop3A_259  : i32 {
        %parallel_loop3A_347 = arith.constant 64 : i32
        %parallel_loop3A_348 = arith.divsi %parallel_loop3A_346, %parallel_loop3A_347 : i32
        %parallel_loop3A_349 = arith.constant 0 : i32
        %parallel_loop3A_350 = arith.cmpi sgt, %parallel_loop3A_346, %parallel_loop3A_349 : i32
        %parallel_loop3A_351 = arith.extui %parallel_loop3A_350 : i1 to i32
        %parallel_loop3A_352 = arith.constant 0 : i32
        %parallel_loop3A_353 = arith.cmpi slt, %parallel_loop3A_346, %parallel_loop3A_352 : i32
        %parallel_loop3A_354 = arith.extui %parallel_loop3A_353 : i1 to i32
        %parallel_loop3A_355 = arith.subi %parallel_loop3A_351, %parallel_loop3A_354 : i32
        %parallel_loop3A_356 = arith.constant 0 : i32
        %parallel_loop3A_357 = arith.cmpi sgt, %parallel_loop3A_347, %parallel_loop3A_356 : i32
        %parallel_loop3A_358 = arith.extui %parallel_loop3A_357 : i1 to i32
        %parallel_loop3A_359 = arith.constant 0 : i32
        %parallel_loop3A_360 = arith.cmpi slt, %parallel_loop3A_347, %parallel_loop3A_359 : i32
        %parallel_loop3A_361 = arith.extui %parallel_loop3A_360 : i1 to i32
        %parallel_loop3A_362 = arith.subi %parallel_loop3A_358, %parallel_loop3A_361 : i32
        %parallel_loop3A_363 = arith.cmpi ne, %parallel_loop3A_355, %parallel_loop3A_362 : i32
        %parallel_loop3A_364 = arith.remsi %parallel_loop3A_346, %parallel_loop3A_347 : i32
        %parallel_loop3A_365 = arith.constant 0 : i32
        %parallel_loop3A_366 = arith.cmpi ne, %parallel_loop3A_364, %parallel_loop3A_365 : i32
        %parallel_loop3A_367 = arith.andi %parallel_loop3A_363, %parallel_loop3A_366 : i1
        %parallel_loop3A_368 = arith.constant 1 : i32
        %parallel_loop3A_369 = arith.subi %parallel_loop3A_348, %parallel_loop3A_368 : i32
        %parallel_loop3A_370 = arith.select %parallel_loop3A_367, %parallel_loop3A_369, %parallel_loop3A_348 : i32
        %parallel_loop3A_371 = arith.constant 64 : i32
        %parallel_loop3A_372 = arith.constant 0 : i32
        %parallel_loop3A_373 = arith.cmpi eq, %parallel_loop3A_371, %parallel_loop3A_372 : i32
        %parallel_loop3A_374 = arith.constant 1 : i32
        %parallel_loop3A_375 = arith.select %parallel_loop3A_373, %parallel_loop3A_374, %parallel_loop3A_371 : i32
        %parallel_loop3A_376 = arith.remsi %parallel_loop3A_346, %parallel_loop3A_375 : i32
        %parallel_loop3A_377 = arith.constant 0 : i32
        %parallel_loop3A_378 = arith.cmpi ne, %parallel_loop3A_376, %parallel_loop3A_377 : i32
        %parallel_loop3A_379 = arith.constant 0 : i32
        %parallel_loop3A_380 = arith.cmpi slt, %parallel_loop3A_376, %parallel_loop3A_379 : i32
        %parallel_loop3A_381 = arith.constant 0 : i32
        %parallel_loop3A_382 = arith.cmpi slt, %parallel_loop3A_375, %parallel_loop3A_381 : i32
        %parallel_loop3A_383 = arith.xori %parallel_loop3A_380, %parallel_loop3A_382 : i1
        %parallel_loop3A_384 = arith.andi %parallel_loop3A_383, %parallel_loop3A_378 : i1
        %parallel_loop3A_385 = arith.addi %parallel_loop3A_376, %parallel_loop3A_375 : i32
        %parallel_loop3A_386 = arith.select %parallel_loop3A_384, %parallel_loop3A_385, %parallel_loop3A_376 : i32
        %parallel_loop3A_387 = arith.constant 16 : i32
        %parallel_loop3A_388 = arith.muli %parallel_loop3A_386, %parallel_loop3A_387 : i32
        %parallel_loop3A_389 = arith.index_cast %select_n3A_257 : i32 to index
        %parallel_loop3A_390 = arith.index_cast %parallel_loop3A_370 : i32 to index
        %parallel_loop3A_391 = arith.index_cast %parallel_loop3A_388 : i32 to index
        %parallel_loop3A_392 = tpu.vector_load %arg8[%parallel_loop3A_389, %parallel_loop3A_390, %parallel_loop3A_391] {strides = array<i32>} : memref<2x16x1024xf32, #tpu.memory_space<vmem>>, vector<1x1x16xf32>,
        %parallel_loop3A_393 = vector.shape_cast %parallel_loop3A_392 : vector<1x1x16xf32> to vector<16xf32>
        %parallel_loop3A_394 = arith.index_cast %select_n3A_158 : i32 to index
        %parallel_loop3A_395 = arith.index_cast %parallel_loop3A_370 : i32 to index
        %parallel_loop3A_396 = arith.index_cast %parallel_loop3A_388 : i32 to index
        %parallel_loop3A_397 = tpu.vector_load %arg7[%parallel_loop3A_394, %parallel_loop3A_395, %parallel_loop3A_396] {strides = array<i32>} : memref<4x16x1024xf32, #tpu.memory_space<vmem>>, vector<1x1x16xf32>,
        %parallel_loop3A_398 = vector.shape_cast %parallel_loop3A_397 : vector<1x1x16xf32> to vector<16xf32>
        %parallel_loop3A_399 = vector.shape_cast %parallel_loop3A_393 : vector<16xf32> to vector<1x1x16xf32>
        tpu.vector_store %arg7[%parallel_loop3A_394, %parallel_loop3A_395, %parallel_loop3A_396], %parallel_loop3A_399 {add = true, strides = array<i32>} : memref<4x16x1024xf32, #tpu.memory_space<vmem>>, vector<1x1x16xf32>,
      } {sc.loop_unroll_factor = 16 : i64, sc.parallel_access}
      %jit3A_260 = arith.constant 4 : i32
      %div3A_261 = arith.divsi %scan3A_112, %jit3A_260 : i32
      %sign3A_262 = arith.constant 0 : i32
      %sign3A_263 = arith.cmpi sgt, %scan3A_112, %sign3A_262 : i32
      %sign3A_264 = arith.extui %sign3A_263 : i1 to i32
      %sign3A_265 = arith.constant 0 : i32
      %sign3A_266 = arith.cmpi slt, %scan3A_112, %sign3A_265 : i32
      %sign3A_267 = arith.extui %sign3A_266 : i1 to i32
      %sign3A_268 = arith.subi %sign3A_264, %sign3A_267 : i32
      %sign3A_269 = arith.constant 0 : i32
      %sign3A_270 = arith.cmpi sgt, %jit3A_260, %sign3A_269 : i32
      %sign3A_271 = arith.extui %sign3A_270 : i1 to i32
      %sign3A_272 = arith.constant 0 : i32
      %sign3A_273 = arith.cmpi slt, %jit3A_260, %sign3A_272 : i32
      %sign3A_274 = arith.extui %sign3A_273 : i1 to i32
      %sign3A_275 = arith.subi %sign3A_271, %sign3A_274 : i32
      %ne3A_276 = arith.cmpi ne, %sign3A_268, %sign3A_275 : i32
      %rem3A_277 = arith.remsi %scan3A_112, %jit3A_260 : i32
      %ne3A_278 = arith.constant 0 : i32
      %ne3A_279 = arith.cmpi ne, %rem3A_277, %ne3A_278 : i32
      %and3A_280 = arith.andi %ne3A_276, %ne3A_279 : i1
      %sub3A_281 = arith.constant 1 : i32
      %sub3A_282 = arith.subi %div3A_261, %sub3A_281 : i32
      %select_n3A_283 = arith.select %and3A_280, %sub3A_282, %div3A_261 : i32
      %jit3A_284 = arith.constant 4 : i32
      %eq3A_285 = arith.constant 0 : i32
      %eq3A_286 = arith.cmpi eq, %jit3A_284, %eq3A_285 : i32
      %jit3A_287 = arith.constant 1 : i32
      %select_n3A_288 = arith.select %eq3A_286, %jit3A_287, %jit3A_284 : i32
      %rem3A_289 = arith.remsi %scan3A_112, %select_n3A_288 : i32
      %ne3A_290 = arith.constant 0 : i32
      %ne3A_291 = arith.cmpi ne, %rem3A_289, %ne3A_290 : i32
      %lt3A_292 = arith.constant 0 : i32
      %lt3A_293 = arith.cmpi slt, %rem3A_289, %lt3A_292 : i32
      %lt3A_294 = arith.constant 0 : i32
      %lt3A_295 = arith.cmpi slt, %select_n3A_288, %lt3A_294 : i32
      %ne3A_296 = arith.xori %lt3A_293, %lt3A_295 : i1
      %and3A_297 = arith.andi %ne3A_296, %ne3A_291 : i1
      %add3A_298 = arith.addi %rem3A_289, %select_n3A_288 : i32
      %select_n3A_299 = arith.select %and3A_297, %add3A_298, %rem3A_289 : i32
      %jit3A_300 = arith.constant 4 : i32
      %eq3A_301 = arith.constant 0 : i32
      %eq3A_302 = arith.cmpi eq, %jit3A_300, %eq3A_301 : i32
      %jit3A_303 = arith.constant 1 : i32
      %select_n3A_304 = arith.select %eq3A_302, %jit3A_303, %jit3A_300 : i32
      %rem3A_305 = arith.remsi %scan3A_112, %select_n3A_304 : i32
      %ne3A_306 = arith.constant 0 : i32
      %ne3A_307 = arith.cmpi ne, %rem3A_305, %ne3A_306 : i32
      %lt3A_308 = arith.constant 0 : i32
      %lt3A_309 = arith.cmpi slt, %rem3A_305, %lt3A_308 : i32
      %lt3A_310 = arith.constant 0 : i32
      %lt3A_311 = arith.cmpi slt, %select_n3A_304, %lt3A_310 : i32
      %ne3A_312 = arith.xori %lt3A_309, %lt3A_311 : i1
      %and3A_313 = arith.andi %ne3A_312, %ne3A_307 : i1
      %add3A_314 = arith.addi %rem3A_305, %select_n3A_304 : i32
      %select_n3A_315 = arith.select %and3A_313, %add3A_314, %rem3A_305 : i32
      %mul3A_316 = arith.constant 4096 : i32
      %mul3A_317 = arith.muli %select_n3A_299, %mul3A_316 : i32
      %add3A_318 = arith.addi %mul3A_317, %mul3A_2 : i32
      %mul3A_319 = arith.constant 16 : i32
      %mul3A_320 = arith.muli %select_n3A_283, %mul3A_319 : i32
      %add3A_321 = arith.addi %add3A_318, %mul3A_320 : i32
      %dma_start3A_322 = arith.constant 0 : i32
      %dma_start3A_323 = arith.constant 0 : i32
      %dma_start3A_324 = tpu.memref_slice %arg7[%select_n3A_315, %dma_start3A_322, %dma_start3A_323] : memref<4x16x1024xf32, #tpu.memory_space<vmem>> -> memref<1x16x1024xf32, #tpu.memory_space<vmem>>
      %dma_start3A_325 = tpu.memref_squeeze %dma_start3A_324 : memref<1x16x1024xf32, #tpu.memory_space<vmem>> -> memref<16x1024xf32, #tpu.memory_space<vmem>>
      %dma_start3A_326 = arith.constant 0 : i32
      %dma_start3A_327 = tpu.memref_slice %arg5[%add3A_321, %dma_start3A_326] : memref<16384x1024xf32, #tpu.memory_space<hbm>> -> memref<16x1024xf32, #tpu.memory_space<hbm>>
      %dma_start3A_328 = tpu.memref_slice %arg10[%select_n3A_315] : memref<4x!tpu.dma_semaphore, #tpu.memory_space<semaphore_mem>> -> memref<1x!tpu.dma_semaphore, #tpu.memory_space<semaphore_mem>>
      %dma_start3A_329 = tpu.memref_squeeze %dma_start3A_328 : memref<1x!tpu.dma_semaphore, #tpu.memory_space<semaphore_mem>> -> memref<!tpu.dma_semaphore, #tpu.memory_space<semaphore_mem>>
      %dma_start3A_330 = arith.constant 0 : i32
      %dma_start3A_331 = tpu.memref_slice %arg5[%add3A_321, %dma_start3A_330] : memref<16384x1024xf32, #tpu.memory_space<hbm>> -> memref<16x1024xf32, #tpu.memory_space<hbm>>
      %dma_start3A_332 = arith.constant 0 : i32
      %dma_start3A_333 = arith.constant 0 : i32
      %dma_start3A_334 = tpu.memref_slice %arg7[%select_n3A_315, %dma_start3A_332, %dma_start3A_333] : memref<4x16x1024xf32, #tpu.memory_space<vmem>> -> memref<1x16x1024xf32, #tpu.memory_space<vmem>>
      %dma_start3A_335 = tpu.memref_squeeze %dma_start3A_334 : memref<1x16x1024xf32, #tpu.memory_space<vmem>> -> memref<16x1024xf32, #tpu.memory_space<vmem>>
      tpu.enqueue_dma source(%dma_start3A_335 : memref<16x1024xf32, #tpu.memory_space<vmem>>) target(%dma_start3A_331 : memref<16x1024xf32, #tpu.memory_space<hbm>>) target_semaphore(%dma_start3A_329 : memref<!tpu.dma_semaphore, #tpu.memory_space<semaphore_mem>>)
      %eq3A_336 = arith.constant 3 : i32
      %eq3A_337 = arith.cmpi eq, %select_n3A_142, %eq3A_336 : i32
      %add3A_338 = arith.constant 2 : i32
      %add3A_339 = arith.addi %select_n3A, %add3A_338 : i32
      %lt3A_340 = arith.constant 8 : i32
      %lt3A_341 = arith.cmpi slt, %add3A_339, %lt3A_340 : i32
      %and3A_342 = arith.andi %eq3A_337, %lt3A_341 : i1
      %convert_element_type3A_343 = arith.extui %and3A_342 : i1 to i32
      %cond3A_344 = arith.constant 0 : i32
      %cond3A_345 = arith.cmpi ne, %convert_element_type3A_343, %cond3A_344 : i32
      scf.if %cond3A_345 {
        %add3A_346 = arith.constant 2 : i32
        %add3A_347 = arith.addi %select_n3A, %add3A_346 : i32
        %mul3A_348 = arith.constant 16 : i32
        %mul3A_349 = arith.muli %add3A_347, %mul3A_348 : i32
        %add3A_350 = arith.addi %mul3A_2, %mul3A_349 : i32
        %jit3A_351 = arith.constant 2 : i32
        %eq3A_352 = arith.constant 0 : i32
        %eq3A_353 = arith.cmpi eq, %jit3A_351, %eq3A_352 : i32
        %jit3A_354 = arith.constant 1 : i32
        %select_n3A_355 = arith.select %eq3A_353, %jit3A_354, %jit3A_351 : i32
        %rem3A_356 = arith.remsi %add3A_347, %select_n3A_355 : i32
        %ne3A_357 = arith.constant 0 : i32
        %ne3A_358 = arith.cmpi ne, %rem3A_356, %ne3A_357 : i32
        %lt3A_359 = arith.constant 0 : i32
        %lt3A_360 = arith.cmpi slt, %rem3A_356, %lt3A_359 : i32
        %lt3A_361 = arith.constant 0 : i32
        %lt3A_362 = arith.cmpi slt, %select_n3A_355, %lt3A_361 : i32
        %ne3A_363 = arith.xori %lt3A_360, %lt3A_362 : i1
        %and3A_364 = arith.andi %ne3A_363, %ne3A_358 : i1
        %add3A_365 = arith.addi %rem3A_356, %select_n3A_355 : i32
        %select_n3A_366 = arith.select %and3A_364, %add3A_365, %rem3A_356 : i32
        %jit3A_367 = arith.constant 2 : i32
        %eq3A_368 = arith.constant 0 : i32
        %eq3A_369 = arith.cmpi eq, %jit3A_367, %eq3A_368 : i32
        %jit3A_370 = arith.constant 1 : i32
        %select_n3A_371 = arith.select %eq3A_369, %jit3A_370, %jit3A_367 : i32
        %rem3A_372 = arith.remsi %add3A_347, %select_n3A_371 : i32
        %ne3A_373 = arith.constant 0 : i32
        %ne3A_374 = arith.cmpi ne, %rem3A_372, %ne3A_373 : i32
        %lt3A_375 = arith.constant 0 : i32
        %lt3A_376 = arith.cmpi slt, %rem3A_372, %lt3A_375 : i32
        %lt3A_377 = arith.constant 0 : i32
        %lt3A_378 = arith.cmpi slt, %select_n3A_371, %lt3A_377 : i32
        %ne3A_379 = arith.xori %lt3A_376, %lt3A_378 : i1
        %and3A_380 = arith.andi %ne3A_379, %ne3A_374 : i1
        %add3A_381 = arith.addi %rem3A_372, %select_n3A_371 : i32
        %select_n3A_382 = arith.select %and3A_380, %add3A_381, %rem3A_372 : i32
        %dma_start3A_383 = arith.constant 0 : i32
        %dma_start3A_384 = arith.constant 0 : i32
        %dma_start3A_385 = tpu.memref_slice %arg8[%select_n3A_366, %dma_start3A_383, %dma_start3A_384] : memref<2x16x1024xf32, #tpu.memory_space<vmem>> -> memref<1x16x1024xf32, #tpu.memory_space<vmem>>
        %dma_start3A_386 = tpu.memref_squeeze %dma_start3A_385 : memref<1x16x1024xf32, #tpu.memory_space<vmem>> -> memref<16x1024xf32, #tpu.memory_space<vmem>>
        %dma_start3A_387 = arith.constant 0 : i32
        %dma_start3A_388 = tpu.memref_slice %arg4[%add3A_350, %dma_start3A_387] : memref<4096x1024xf32, #tpu.memory_space<hbm>> -> memref<16x1024xf32, #tpu.memory_space<hbm>>
        %dma_start3A_389 = tpu.memref_slice %arg11[%select_n3A_382] : memref<2x!tpu.dma_semaphore, #tpu.memory_space<semaphore_mem>> -> memref<1x!tpu.dma_semaphore, #tpu.memory_space<semaphore_mem>>
        %dma_start3A_390 = tpu.memref_squeeze %dma_start3A_389 : memref<1x!tpu.dma_semaphore, #tpu.memory_space<semaphore_mem>> -> memref<!tpu.dma_semaphore, #tpu.memory_space<semaphore_mem>>
        %dma_start3A_391 = arith.constant 0 : i32
        %dma_start3A_392 = arith.constant 0 : i32
        %dma_start3A_393 = tpu.memref_slice %arg8[%select_n3A_366, %dma_start3A_391, %dma_start3A_392] : memref<2x16x1024xf32, #tpu.memory_space<vmem>> -> memref<1x16x1024xf32, #tpu.memory_space<vmem>>
        %dma_start3A_394 = tpu.memref_squeeze %dma_start3A_393 : memref<1x16x1024xf32, #tpu.memory_space<vmem>> -> memref<16x1024xf32, #tpu.memory_space<vmem>>
        %dma_start3A_395 = arith.constant 0 : i32
        %dma_start3A_396 = tpu.memref_slice %arg4[%add3A_350, %dma_start3A_395] : memref<4096x1024xf32, #tpu.memory_space<hbm>> -> memref<16x1024xf32, #tpu.memory_space<hbm>>
        tpu.enqueue_dma source(%dma_start3A_396 : memref<16x1024xf32, #tpu.memory_space<hbm>>) target(%dma_start3A_394 : memref<16x1024xf32, #tpu.memory_space<vmem>>) target_semaphore(%dma_start3A_390 : memref<!tpu.dma_semaphore, #tpu.memory_space<semaphore_mem>>)
      } else {
      }
    }
    %scan3A_72 = arith.constant 32 : i32
    %add3A_73 = arith.constant 8192 : i32
    %add3A_74 = arith.addi %add3A_73, %mul3A_2 : i32
    %add3A_75 = arith.constant 112 : i32
    %add3A_76 = arith.addi %add3A_74, %add3A_75 : i32
    %dma_wait3A = arith.constant 2 : i32
    %dma_wait3A_77 = arith.constant 2 : i32
    %dma_wait3A_78 = arith.constant 0 : i32
    %dma_wait3A_79 = arith.constant 0 : i32
    %dma_wait3A_80 = tpu.memref_slice %arg7[%dma_wait3A, %dma_wait3A_78, %dma_wait3A_79] : memref<4x16x1024xf32, #tpu.memory_space<vmem>> -> memref<1x16x1024xf32, #tpu.memory_space<vmem>>
    %dma_wait3A_81 = tpu.memref_squeeze %dma_wait3A_80 : memref<1x16x1024xf32, #tpu.memory_space<vmem>> -> memref<16x1024xf32, #tpu.memory_space<vmem>>
    %dma_wait3A_82 = arith.constant 0 : i32
    %dma_wait3A_83 = tpu.memref_slice %arg5[%add3A_76, %dma_wait3A_82] : memref<16384x1024xf32, #tpu.memory_space<hbm>> -> memref<16x1024xf32, #tpu.memory_space<hbm>>
    %dma_wait3A_84 = tpu.memref_slice %arg10[%dma_wait3A_77] : memref<4x!tpu.dma_semaphore, #tpu.memory_space<semaphore_mem>> -> memref<1x!tpu.dma_semaphore, #tpu.memory_space<semaphore_mem>>
    %dma_wait3A_85 = tpu.memref_squeeze %dma_wait3A_84 : memref<1x!tpu.dma_semaphore, #tpu.memory_space<semaphore_mem>> -> memref<!tpu.dma_semaphore, #tpu.memory_space<semaphore_mem>>
    %dma_wait3A_86 = arith.constant 0 : i32
    %dma_wait3A_87 = tpu.memref_slice %arg5[%add3A_76, %dma_wait3A_86] : memref<16384x1024xf32, #tpu.memory_space<hbm>> -> memref<16x1024xf32, #tpu.memory_space<hbm>>
    %dma_wait3A_88 = arith.constant 0 : i32
    %dma_wait3A_89 = arith.constant 0 : i32
    %dma_wait3A_90 = tpu.memref_slice %arg7[%dma_wait3A, %dma_wait3A_88, %dma_wait3A_89] : memref<4x16x1024xf32, #tpu.memory_space<vmem>> -> memref<1x16x1024xf32, #tpu.memory_space<vmem>>
    %dma_wait3A_91 = tpu.memref_squeeze %dma_wait3A_90 : memref<1x16x1024xf32, #tpu.memory_space<vmem>> -> memref<16x1024xf32, #tpu.memory_space<vmem>>
    tpu.wait_dma2 semaphore(%dma_wait3A_85 : memref<!tpu.dma_semaphore, #tpu.memory_space<semaphore_mem>>) src(%dma_wait3A_91 : memref<16x1024xf32, #tpu.memory_space<vmem>>) dst(%dma_wait3A_87 : memref<16x1024xf32, #tpu.memory_space<hbm>>)
    %add3A_92 = arith.constant 12288 : i32
    %add3A_93 = arith.addi %add3A_92, %mul3A_2 : i32
    %add3A_94 = arith.constant 112 : i32
    %add3A_95 = arith.addi %add3A_93, %add3A_94 : i32
    %dma_wait3A_96 = arith.constant 3 : i32
    %dma_wait3A_97 = arith.constant 3 : i32
    %dma_wait3A_98 = arith.constant 0 : i32
    %dma_wait3A_99 = arith.constant 0 : i32
    %dma_wait3A_100 = tpu.memref_slice %arg7[%dma_wait3A_96, %dma_wait3A_98, %dma_wait3A_99] : memref<4x16x1024xf32, #tpu.memory_space<vmem>> -> memref<1x16x1024xf32, #tpu.memory_space<vmem>>
    %dma_wait3A_101 = tpu.memref_squeeze %dma_wait3A_100 : memref<1x16x1024xf32, #tpu.memory_space<vmem>> -> memref<16x1024xf32, #tpu.memory_space<vmem>>
    %dma_wait3A_102 = arith.constant 0 : i32
    %dma_wait3A_103 = tpu.memref_slice %arg5[%add3A_95, %dma_wait3A_102] : memref<16384x1024xf32, #tpu.memory_space<hbm>> -> memref<16x1024xf32, #tpu.memory_space<hbm>>
    %dma_wait3A_104 = tpu.memref_slice %arg10[%dma_wait3A_97] : memref<4x!tpu.dma_semaphore, #tpu.memory_space<semaphore_mem>> -> memref<1x!tpu.dma_semaphore, #tpu.memory_space<semaphore_mem>>
    %dma_wait3A_105 = tpu.memref_squeeze %dma_wait3A_104 : memref<1x!tpu.dma_semaphore, #tpu.memory_space<semaphore_mem>> -> memref<!tpu.dma_semaphore, #tpu.memory_space<semaphore_mem>>
    %dma_wait3A_106 = arith.constant 0 : i32
    %dma_wait3A_107 = tpu.memref_slice %arg5[%add3A_95, %dma_wait3A_106] : memref<16384x1024xf32, #tpu.memory_space<hbm>> -> memref<16x1024xf32, #tpu.memory_space<hbm>>
    %dma_wait3A_108 = arith.constant 0 : i32
    %dma_wait3A_109 = arith.constant 0 : i32
    %dma_wait3A_110 = tpu.memref_slice %arg7[%dma_wait3A_96, %dma_wait3A_108, %dma_wait3A_109] : memref<4x16x1024xf32, #tpu.memory_space<vmem>> -> memref<1x16x1024xf32, #tpu.memory_space<vmem>>
    %dma_wait3A_111 = tpu.memref_squeeze %dma_wait3A_110 : memref<1x16x1024xf32, #tpu.memory_space<vmem>> -> memref<16x1024xf32, #tpu.memory_space<vmem>>
    tpu.wait_dma2 semaphore(%dma_wait3A_105 : memref<!tpu.dma_semaphore, #tpu.memory_space<semaphore_mem>>) src(%dma_wait3A_111 : memref<16x1024xf32, #tpu.memory_space<vmem>>) dst(%dma_wait3A_107 : memref<16x1024xf32, #tpu.memory_space<hbm>>)
    return
  }
}

</mosaic_0001>

<sc_bundles>
// kernel: kernel.3.cloned.1.call-start
scs
__scs_entry_jumppad:
0x0: {  	(pc) =	sbr.rel $0x88, $3  }
0x1: {  	(tag) =	ssettag $0x0;
	lr =	simm.s32 $0x1  }
0x2: {  	[smem:$0x3F9E] =	sst lr;
	_ =	strace $0xD0000000  }
0x3: {  	_ = 	snop  }
0x4: {  	_ = 	snop  }
0x5: {  	_ = 	snop  }
0x6: {  	_ = 	snop  }
0x7: {  	_ = 	snop  }
__scs_overlays_trampoline_lowered:
0x8: {  	[smem:$0x3FAD] =	sst s0  }
0x9: {  	[smem:$0x3FAE] =	sst s1  }
0xa: {  	[smem:$0x3FAF] =	sst s2  }
0xb: {  	[smem:$0x3FB0] =	sst s3  }
0xc: {  	[smem:$0x3FB1] =	sst s4  }
0xd: {  	[smem:$0x3FB2] =	sst s5  }
0xe: {  	[smem:$0x3FB3] =	sst s6  }
0xf: {  	[smem:$0x3FB4] =	sst s7  }
0x10: {  	[smem:$0x3FB5] =	sst s8  }
0x11: {  	[smem:$0x3FB6] =	sst s9;
	s0 =	simm.s32 @!p0 $0x0  }
0x12: {  	s1 =	sld [smem:$0x3F9C];
	s0 =	simm.s32 @p0 $0x1  }
0x13: {  	[smem:$0x3FB7] =	sst s0;
	s0 =	simm.s32 @!p1 $0x0  }
0x14: {  	s2 =	sld [smem:$0x3F9B];
	s0 =	simm.s32 @p1 $0x1  }
0x15: {  	[smem:$0x3FB8] =	sst s0;
	s0 =	simm.s32 @!p2 $0x0  }
0x16: {  	s3 =	sld [smem:$0x3FDB];
	s0 =	simm.s32 @p2 $0x1  }
0x17: {  	s4 =	simm.s32 $0x1BF5;
	[smem:$0x3FBA] =	sst s0  }
0x18: {  	s0 =	sld [smem:$0x3F9D];
	_ =	swait.ge [sflag:s4], $0x0  }
0x19: {  	s7 =	sld [smem:$0x3F9E]  }
0x1a: {  	s8 =	sadd.s32 $0xFFFFE003, lr  }
0x1b: {  	s9 =	sadd.s32 $0xFFFFFEF7, lr;
	s5 =	simm.s32 $0xFFFFFFFF;
	p2 =	slt.u32 s8, $0xFFFFF086  }
0x1c: {  	p1 =	slt.u32 s9, $0xF7A;
	s5 =	simm.s32 @!p2 $0x0  }
0x1d: {  	s5 =	simm.s32 @p1 $0x1;
	p0 =	seq.s32 s7, s2  }
0x1e: {  	s7 =	smul.u32 @!p0 $0xF7A, s2;
	p2 =	seq.s32 @!p0 s5, $0x0  }
0x1f: {  	s9 =	smul.u32 $0xF7A, s1;
	s8 =	simm.s32 @!p0 $0x1BF5;
	p2 =	por !p2, p0  }
0x20: {  	[sflag:s8] =	ssyncset.s32 @!p0 $0xFFFFF086;
	s6 =	sadd.s32 @!p0 s3, s7;
	s7 =	simm.s32 @!p0 $0x108  }
0x21: {  	s3 =	sadd.s32 s3, s9;
	s6 =	sadd.s32 @!p0 $0x88, s6;
	s7 =	simm.s32 @p2 $0x1082  }
0x22: {  	[simem:s7], [sflag:s8] =	dma.local @!p0 [hbm:s6], $0xF7A  }
0x23: {  	s9 =	sor.u32 $0xD0000000, s2;
	s6 =	simm.s32 $0x108;
	_ =	swait.ge @!p0 [sflag:s8], $0x0  }
0x24: {  	s3 =	sadd.s32 $0x88, s3;
	s6 =	simm.s32 @!p1 $0x1082;
	[sflag:s4] =	ssyncset.s32 $0xFFFFF086  }
0x25: {  	[simem:s6], [sflag:s4] =	dma.local [hbm:s3], $0xF7A  }
0x26: {  	[smem:$0x3F9E] =	sst s1;
	(tag) =	ssettag s2;
	_ =	strace s9  }
0x27: {  	s1 =	sld [smem:$0x3FAE]  }
0x28: {  	s2 =	sld [smem:$0x3FAF]  }
0x29: {  	s4 =	sld [smem:$0x3FB1]  }
0x2a: {  	p0 =	seq.s32 s5, $0x0;
	s5 =	sld [smem:$0x3FB2]  }
0x2b: {  	s6 =	sld [smem:$0x3FB3]  }
0x2c: {  	s7 =	sld [smem:$0x3FB4]  }
0x2d: {  	s3 =	simm.s32 $0x108;
	s8 =	sld [smem:$0x3FB5]  }
0x2e: {  	s3 =	simm.s32 @!p0 $0x1082;
	s9 =	sld [smem:$0x3FB6]  }
0x2f: {  	lr =	sadd.s32 s0, s3;
	s0 =	sld [smem:$0x3FAD]  }
0x30: {  	s3 =	sld [smem:$0x3FB0]  }
0x31: {  	[smem:$0x3FB9] =	sst s10  }
0x32: {  	s10 =	sld [smem:$0x3FB7];
	_ =	sdelay $0x3  }
0x33: {  	p0 =	seq.s32 s10, $0x1;
	s10 =	sld [smem:$0x3FB9];
	_ =	sdelay $0x3  }
0x34: {  	[smem:$0x3FB9] =	sst s10  }
0x35: {  	s10 =	sld [smem:$0x3FB8];
	_ =	sdelay $0x3  }
0x36: {  	p1 =	seq.s32 s10, $0x1;
	s10 =	sld [smem:$0x3FB9];
	_ =	sdelay $0x3  }
0x37: {  	[smem:$0x3FB9] =	sst s10  }
0x38: {  	s10 =	sld [smem:$0x3FBA]  }
0x39: {  	_ = 	snop;
	(pc) =	sbr.ind lr, $3  }
0x3a: {  	_ = 	snop  }
0x3b: {  	_ = 	snop  }
0x3c: {  	p2 =	seq.s32 s10, $0x1;
	s10 =	sld [smem:$0x3FB9]  }
0x3d: {  	_ =	shalt  }
0x3e: {  	_ =	shalt  }
0x3f: {  	_ =	shalt  }
0x40: {  	_ =	shalt  }
0x41: {  	_ =	shalt  }
0x42: {  	_ =	shalt  }
0x43: {  	_ =	shalt  }
0x44: {  	_ =	shalt  }
0x45: {  	_ =	shalt  }
0x46: {  	_ =	shalt  }
0x47: {  	_ =	shalt  }
0x48: {  	_ =	shalt  }
0x49: {  	_ =	shalt  }
0x4a: {  	_ =	shalt  }
0x4b: {  	_ =	shalt  }
0x4c: {  	_ =	shalt  }
0x4d: {  	_ =	shalt  }
0x4e: {  	_ =	shalt  }
0x4f: {  	_ =	shalt  }
0x50: {  	_ =	shalt  }
0x51: {  	_ =	shalt  }
0x52: {  	_ =	shalt  }
0x53: {  	_ =	shalt  }
0x54: {  	_ =	shalt  }
0x55: {  	_ =	shalt  }
0x56: {  	_ =	shalt  }
0x57: {  	_ =	shalt  }
0x58: {  	_ =	shalt  }
0x59: {  	_ =	shalt  }
0x5a: {  	_ =	shalt  }
0x5b: {  	_ =	shalt  }
0x5c: {  	_ =	shalt  }
0x5d: {  	_ =	shalt  }
0x5e: {  	_ =	shalt  }
0x5f: {  	_ =	shalt  }
0x60: {  	_ =	shalt  }
0x61: {  	_ =	shalt  }
0x62: {  	_ =	shalt  }
0x63: {  	_ =	shalt  }
0x64: {  	_ =	shalt  }
0x65: {  	_ =	shalt  }
0x66: {  	_ =	shalt  }
0x67: {  	_ =	shalt  }
0x68: {  	_ =	shalt  }
0x69: {  	_ =	shalt  }
0x6a: {  	_ =	shalt  }
0x6b: {  	_ =	shalt  }
0x6c: {  	_ =	shalt  }
0x6d: {  	_ =	shalt  }
0x6e: {  	_ =	shalt  }
0x6f: {  	_ =	shalt  }
0x70: {  	_ =	shalt  }
0x71: {  	_ =	shalt  }
0x72: {  	_ =	shalt  }
0x73: {  	_ =	shalt  }
0x74: {  	_ =	shalt  }
0x75: {  	_ =	shalt  }
0x76: {  	_ =	shalt  }
0x77: {  	_ =	shalt  }
0x78: {  	_ =	shalt  }
0x79: {  	_ =	shalt  }
0x7a: {  	_ =	shalt  }
0x7b: {  	_ =	shalt  }
0x7c: {  	_ =	shalt  }
0x7d: {  	_ =	shalt  }
0x7e: {  	_ =	shalt  }
0x7f: {  	_ =	shalt  }
0x80: {  	_ =	shalt  }
0x81: {  	_ =	shalt  }
0x82: {  	_ =	shalt  }
0x83: {  	_ =	shalt  }
0x84: {  	_ =	shalt  }
0x85: {  	_ =	shalt  }
0x86: {  	_ =	shalt  }
0x87: {  	_ =	shalt  }
.Lfunc_end0:
.L_simem_size_0:
called_computation_lowered:
.L_overlay_start_0:
0x88: {  	s2 =	sld [smem:$0x3FD9]  }
0x89: {  	s3 =	sld [smem:$0x3FFE];
	_ =	sdelay $0x1  }
0x8a: {  	s1 =	srdreg.scid  }
0x8b: {  	s0 =	sand.u32 $0x1, s1  }
0x8c: {  	s18 =	sshll.u32 s0, $0xA;
	s2 =	sadd.s32 s3, s2  }
0x8d: {  	s2 =	sadd.s32 s2, s18  }
0x8e: {  	[smem:$0x3FC5] =	sst s2  }
0x8f: {  	_ = 	snop  }
0x90: {  	s2 =	sld [smem:$0x3FC9]  }
0x91: {  	s19 =	sld [smem:$0x3FC8]  }
0x92: {  	s4 =	sld [smem:$0x3FC7]  }
0x93: {  	s5 =	sld [smem:$0x3FD0];
	(tm) =	ssettm $0x1  }
0x94: {  	s6 =	sld [smem:$0x3FFB];
	_ =	sdelay $0x3  }
0x95: {  	_ =	strace s6  }
0x96: {  	s6 =	sld [smem:$0x3FFC];
	_ =	sdelay $0x3  }
0x97: {  	_ =	strace s6  }
0x98: {  	s6 =	sld [smem:$0x3FFD];
	_ =	sdelay $0x3  }
0x99: {  	_ =	strace s6  }
0x9a: {  	_ =	strace $0x8FFFFFFF  }
0x9b: {  	s20 =	sld [smem:$0x3FDB];
	_ =	sdelay $0x1  }
0x9c: {  	s7 =	simm.s32 $_scs_section_size  }
0x9d: {  	s8 =	simm.s32 $_size__tile_overlayer_lowered;
	s9 =	simm.s32 $_tile_overlayer_lowered  }
0x9e: {  	s23 =	simm.s32 $0x1BFF;
	s22 =	sshll.u32 s9, $0x1;
	s6 =	sadd.s32 s7, s20  }
0x9f: {  	s10 =	simm.s32 $0x0;
	s21 =	sshll.u32 s8, $0x1;
	s8 =	sadd.s32 s22, s6  }
0xa0: {  	[timem:s10], [sflag:s23] =	dma.local [hbm:s8], s21  }
0xa1: {  	_ =	swait.ge [sflag:s23], s21  }
0xa2: {  	s7 =	ssub.s32 $0x0, s21;
	[sflag:s23] =	ssyncset.done $0x0  }
0xa3: {  	[sflag:s23] =	ssyncadd.s32 s7;
	_ =	sdelay $0x1  }
0xa4: {  	s24 =	simm.s32 $0x1B8B  }
0xa5: {  	_ =	swait.ge [sflag:s24], $0x1  }
0xa6: {  	[sflag:s24] =	ssyncset.done $0x0  }
0xa7: {  	s25 =	simm.s32 $0x1B8E;
	[sflag:s24] =	ssyncadd.s32 $0xFFFFFFFF  }
0xa8: {  	s26 =	simm.s32 $execute0_lowered;
	[smem:$0x3FD2] =	sst s25  }
0xa9: {  	s7 =	sshll.u32 s26, $0x1;
	_ =	strace $0x80000046;
	[dreg:$0x1] =	wrdreg $0xFFFFFFFF  }
0xaa: {  	s28 =	simm.s32 $_size_execute0_lowered;
	s6 =	sadd.s32 s6, s7;
	[dreg:$0x0] =	wrdreg $0x0  }
0xab: {  	s7 =	sshll.u32 s28, $0x1;
	[dreg:$0x2] =	wrdreg s6  }
0xac: {  	[dreg:$0x3] =	wrdreg s7  }
0xad: {  	[dreg:$0x4] =	wrdreg $0xC0  }
0xae: {  	_ =	task [dreg:s10], $0x5FFFF  }
0xaf: {  	[dreg:$0x1] =	wrdreg $0xFFFFFFFF  }
0xb0: {  	[dreg:$0x0] =	wrdreg $0x60  }
0xb1: {  	[dreg:$0x2] =	wrdreg s2  }
0xb2: {  	[dreg:$0x3] =	wrdreg s19  }
0xb3: {  	[dreg:$0x4] =	wrdreg s4  }
0xb4: {  	[dreg:$0x5] =	wrdreg s5  }
0xb5: {  	[dreg:$0x6] =	wrdreg $0x9  }
0xb6: {  	_ =	task.clear_ibuf [dreg:s10], $0x7FFFF;
	_ =	strace $0x90000046  }
0xb7: {  	s29 =	simm.s32 $0x9;
	_ =	strace $0x80000048  }
0xb8: {  	_ =	swait.ge [sflag:s29], $0x1  }
0xb9: {  	[sflag:s29] =	ssyncadd.s32 $0xFFFFFFFF  }
0xba: {  	_ =	strace $0x90000048  }
0xbb: {  	_ =	sfence  }
0xbc: {  	s30 =	sld [smem:$0x0];
	_ =	sdelay $0x2  }
0xbd: {  	s31 =	sshll.u32 s1, $0xD;
	s1 =	sshrl.u32 s1, $0x2  }
0xbe: {  	s3 =	sand.u32 $0x4000, s31;
	s1 =	sadd.s32 s1, s30  }
0xbf: {  	s0 =	sor.u32 s3, s0;
	s1 =	sshll.u32 s1, $0x11  }
0xc0: {  	s0 =	sor.u32 s1, s0  }
0xc1: {  	s0 =	sadd.s32 $0x8F2B, s0  }
0xc2: {  	[sflag:s0] =	ssyncadd.remote.s32 $0x1  }
0xc3: {  	_ =	sfence.sel $0xFFFF  }
0xc4: {  	[dreg:$0x0] =	wrdreg $0xFFFFFFFF;
	(pc) =	sbr.abs _section_cstart, $3  }
0xc5: {  	[dreg:$0x1] =	wrdreg $0xFFFFFFFF  }
0xc6: {  	_ =	task.clear_ibuf [dreg:s10], $0x2FFFF;
	_ =	strace $0x9FFFFFFF  }
0xc7: {  	(tm) =	ssettm $0x7FFFFFFF  }
tec
execute0_lowered:
.L_overlay_start_1:
0x0: {  	(tag) =	ssettag $0x1  }
0x1: {  	s0 =	rddreg [dreg:$0x0]  }
0x2: {  	s1 =	rddreg [dreg:$0x1]  }
0x3: {  	s2 =	rddreg [dreg:$0x2]  }
0x4: {  	s10 =	rddreg [dreg:$0x3]  }
0x5: {  	s3 =	srdreg.scid;
	s5 =	stileid.u32  }
0x6: {  	s13 =	simm.s32 $0xB;
	s31 =	simm.s32 $0x7200;
	s14 =	simm.s32 $0x8  }
0x7: {  	s15 =	simm.s32 $0x0;
	s4 =	sand.u32 $0x1, s3;
	s3 =	simm.s32 $0x0  }
0x8: {  	s5 =	sshll.u32 s5, $0x8;
	s7 =	sadd.s32 $0x100, s1;
	s8 =	sadd.s32 $0x200, s1  }
0x9: {  	s9 =	sadd.s32 $0x300, s1;
	s6 =	sshll.u32 s4, $0x7;
	[smem:$0x7FF] =	sst s3  }
0xa: {  	s4 =	ssub.s32 $0x2, s4;
	s5 =	sor.u32 s6, s5;
	_ =	strace $0x80000047  }
0xb: {  	s30 =	sshrl.u32 s4, $0x1;
	s11 =	sshll.u32 s5, $0x7;
	s5 =	sshrl.u32 s5, $0x1  }
0xc: {  	v2 =	vlaneseq.u32;
	s12 =	ssub.s32 s4, s30;
	s4 =	sadd.s32 s2, s11;
	s5 =	sadd.s32 s0, s5  }
0xd: {  	vm0 =	vmmov $0xffff;
	v1 =	vshrl.u32 v2, $0x3;
	s10 =	sadd.s32 s10, s11;
	s11 =	smax.u32 s12, $0x1;
	s0 =	simm.s32 $0x7A00  }
0xe: {  	v0 =	vand.u32 $0x7, v2;
	v2 =	vor.u32 $0x8, v2;
	v1 =	vmul.u32 $0x8, v1;
	s2 =	simm.s32 $0x7;
	s6 =	sadd.s32 $0x800, s4;
	s12 =	sadd.s32 $0x1000, s4  }
.LBB2_1:
0xf: {  	[tilespmem:s3], [sflag:$0xB] =	stream.linear.gather [hbm4b:s5+s3], $0x200, $0x38;
	[tilespmem:$0x18200] =	vst v63  }
0x10: {  	_ =	swait.ge [sflag:s13], $0x200  }
0x11: {  	[sflag:s13] =	ssyncset.done $0x0  }
0x12: {  	s16 =	simm.s32 $0x10200;
	[sflag:s13] =	ssyncadd.s32 $0xFFFFFE00  }
0x13: {  	[tilespmem:s16], [sflag:$0x9] =	stream.linear.gather [hbm4b:s4+s3], $0x4000, $0x38;
	[tilespmem:$0x18200] =	vst v63  }
0x14: {  	s29 =	simm.s32 $0x14200  }
0x15: {  	[tilespmem:s29], [sflag:$0xA] =	stream.linear.gather [hbm4b:s6+s3], $0x4000, $0x38;
	[tilespmem:$0x18200] =	vst v63  }
0x16: {  	v3 =	vld [tilespmem:$0x0];
	_ =	sdelay $0x4  }
0x17: {  	v4 =	vshll.u32 v3, $0x3  }
0x18: {  	v3 =	vand.u32 $0x7, v3;
	v4 =	vand.u32 $0xFFFFFFC0, v4  }
0x19: {  	v3 =	vor.u32 v3, v4  }
0x1a: {  	v4 =	vperm.xlane v3, v0;
	_ =	sdelay $0x1  }
0x1b: {  	v4 =	vadd.s32 v1, v4;
	_ =	sdelay $0x3  }
0x1c: {  	s30 =	simm.s32 $0x200  }
0x1d: {  	[tilespmem:s30], [sflag:$0x1] =	stream.indirect_vreg.gather [hbm4b:s1+s3], $0x80, v4, vm0, $0xb8;
	[tilespmem:$0x18200] =	vst v63  }
0x1e: {  	s17 =	simm.s32 $0xA00;
	v3 =	vperm.xlane v3, v2  }
0x1f: {  	[tilespmem:s17], [sflag:$0x1] =	stream.indirect_vreg.gather [hbm4b:s7+s3], $0x80, v4, vm0, $0xb8;
	[tilespmem:$0x18200] =	vst v63  }
0x20: {  	s18 =	simm.s32 $0x1200;
	v3 =	vadd.s32 v1, v3  }
0x21: {  	[tilespmem:s18], [sflag:$0x1] =	stream.indirect_vreg.gather [hbm4b:s8+s3], $0x80, v4, vm0, $0xb8;
	[tilespmem:$0x18200] =	vst v63  }
0x22: {  	s19 =	simm.s32 $0x1A00  }
0x23: {  	[tilespmem:s19], [sflag:$0x1] =	stream.indirect_vreg.gather [hbm4b:s9+s3], $0x80, v4, vm0, $0xb8;
	[tilespmem:$0x18200] =	vst v63  }
0x24: {  	s20 =	simm.s32 $0x2200  }
0x25: {  	[tilespmem:s20], [sflag:$0x1] =	stream.indirect_vreg.gather [hbm4b:s1+s3], $0x80, v3, vm0, $0xb8;
	[tilespmem:$0x18200] =	vst v63  }
0x26: {  	s21 =	simm.s32 $0x2A00  }
0x27: {  	[tilespmem:s21], [sflag:$0x1] =	stream.indirect_vreg.gather [hbm4b:s7+s3], $0x80, v3, vm0, $0xb8;
	[tilespmem:$0x18200] =	vst v63  }
0x28: {  	s22 =	simm.s32 $0x3200  }
0x29: {  	[tilespmem:s22], [sflag:$0x1] =	stream.indirect_vreg.gather [hbm4b:s8+s3], $0x80, v3, vm0, $0xb8;
	[tilespmem:$0x18200] =	vst v63  }
0x2a: {  	s23 =	simm.s32 $0x3A00  }
0x2b: {  	[tilespmem:s23], [sflag:$0x1] =	stream.indirect_vreg.gather [hbm4b:s9+s3], $0x80, v3, vm0, $0xb8;
	[tilespmem:$0x18200] =	vst v63  }
0x2c: {  	v3 =	vld [tilespmem:$0x80];
	_ =	sdelay $0x4  }
0x2d: {  	v63 =	vshll.u32 v3, $0x3  }
0x2e: {  	v3 =	vand.u32 $0x7, v3;
	v4 =	vand.u32 $0xFFFFFFC0, v63  }
0x2f: {  	v3 =	vor.u32 v3, v4  }
0x30: {  	v4 =	vperm.xlane v3, v0;
	_ =	sdelay $0x1  }
0x31: {  	v4 =	vadd.s32 v1, v4;
	_ =	sdelay $0x3  }
0x32: {  	s24 =	simm.s32 $0x4200  }
0x33: {  	[tilespmem:s24], [sflag:$0x2] =	stream.indirect_vreg.gather [hbm4b:s1+s3], $0x80, v4, vm0, $0xb8;
	[tilespmem:$0x18200] =	vst v63  }
0x34: {  	s25 =	simm.s32 $0x4A00;
	v3 =	vperm.xlane v3, v2  }
0x35: {  	[tilespmem:s25], [sflag:$0x2] =	stream.indirect_vreg.gather [hbm4b:s7+s3], $0x80, v4, vm0, $0xb8;
	[tilespmem:$0x18200] =	vst v63  }
0x36: {  	s26 =	simm.s32 $0x5200;
	v3 =	vadd.s32 v1, v3  }
0x37: {  	[tilespmem:s26], [sflag:$0x2] =	stream.indirect_vreg.gather [hbm4b:s8+s3], $0x80, v4, vm0, $0xb8;
	[tilespmem:$0x18200] =	vst v63  }
0x38: {  	s28 =	simm.s32 $0x5A00  }
0x39: {  	[tilespmem:s28], [sflag:$0x2] =	stream.indirect_vreg.gather [hbm4b:s9+s3], $0x80, v4, vm0, $0xb8;
	[tilespmem:$0x18200] =	vst v63  }
0x3a: {  	s29 =	simm.s32 $0x6200  }
0x3b: {  	[tilespmem:s29], [sflag:$0x2] =	stream.indirect_vreg.gather [hbm4b:s1+s3], $0x80, v3, vm0, $0xb8;
	[tilespmem:$0x18200] =	vst v63  }
0x3c: {  	s30 =	simm.s32 $0x6A00  }
0x3d: {  	[tilespmem:s30], [sflag:$0x2] =	stream.indirect_vreg.gather [hbm4b:s7+s3], $0x80, v3, vm0, $0xb8;
	[tilespmem:$0x18200] =	vst v63  }
0x3e: {  	_ = 	snop  }
0x3f: {  	[tilespmem:s31], [sflag:$0x2] =	stream.indirect_vreg.gather [hbm4b:s8+s3], $0x80, v3, vm0, $0xb8;
	[tilespmem:$0x18200] =	vst v63  }
0x40: {  	s16 =	simm.s32 $0x0  }
0x41: {  	[tilespmem:s0], [sflag:$0x2] =	stream.indirect_vreg.gather [hbm4b:s9+s3], $0x80, v3, vm0, $0xb8;
	[tilespmem:$0x18200] =	vst v63  }
.LBB2_2:
0x42: {  	s17 =	sand.u32 $0x3, s16;
	p0 =	slt.u32 s16, $0x2  }
0x43: {  	s18 =	sxor.u32 @!p0 $0x2, s17  }
0x44: {  	s18 =	sadd.s32 @!p0 $0x5, s18  }
0x45: {  	p1 =	sgt.u32 @!p0 s16, $0x1D;
	_ =	swait.ge @!p0 [sflag:s18], $0x4000  }
0x46: {  	p1 =	por p0, !p1;
	[sflag:s18] =	ssyncset.done @!p0 $0x0  }
0x47: {  	[sflag:s18] =	ssyncadd.s32 @!p0 $0xFFFFC000;
	s18 =	sadd.s32 @p1 $0x2, s16  }
0x48: {  	s19 =	sand.u32 @p1 $0x3, s18;
	s18 =	sshll.u32 @p1 s18, $0x2  }
0x49: {  	s20 =	sand.u32 @p1 $0x80, s18;
	s21 =	sshll.u32 @p1 s19, $0x7  }
0x4a: {  	s18 =	sand.u32 @p1 $0x70, s18;
	s20 =	sadd.s32 @p1 s20, s21  }
0x4b: {  	s18 =	sor.u32 @p1 s18, s20  }
0x4c: {  	v3 =	vld @p1 [tilespmem:s18+$0x0];
	_ =	sdelay $0x4  }
0x4d: {  	v4 =	vshll.u32 @p1 v3, $0x3  }
0x4e: {  	v3 =	vand.u32 @p1 $0x7, v3;
	v4 =	vand.u32 @p1 $0xFFFFFFC0, v4  }
0x4f: {  	v3 =	vor.u32 @p1 v3, v4  }
0x50: {  	v4 =	vperm.xlane @p1 v3, v0;
	_ =	sdelay $0x1  }
0x51: {  	v4 =	vadd.s32 @p1 v1, v4;
	_ =	sdelay $0x2  }
0x52: {  	s18 =	sshll.u32 @p1 s19, $0xE  }
0x53: {  	s19 =	sadd.s32 @p1 $0x1, s19;
	s20 =	sor.u32 @p1 $0x200, s18  }
0x54: {  	[tilespmem:s20], [sflag:s19] =	stream.indirect_vreg.gather @p1 [hbm4b:s1+s3], $0x80, v4, vm0, $0xb8;
	[tilespmem:$0x18200] =	vst v63  }
0x55: {  	v3 =	vperm.xlane @p1 v3, v2;
	s20 =	sor.u32 @p1 $0xA00, s18  }
0x56: {  	[tilespmem:s20], [sflag:s19] =	stream.indirect_vreg.gather @p1 [hbm4b:s7+s3], $0x80, v4, vm0, $0xb8;
	[tilespmem:$0x18200] =	vst v63  }
0x57: {  	v3 =	vadd.s32 @p1 v1, v3;
	s20 =	sor.u32 @p1 $0x1200, s18  }
0x58: {  	[tilespmem:s20], [sflag:s19] =	stream.indirect_vreg.gather @p1 [hbm4b:s8+s3], $0x80, v4, vm0, $0xb8;
	[tilespmem:$0x18200] =	vst v63  }
0x59: {  	s20 =	sor.u32 @p1 $0x1A00, s18  }
0x5a: {  	[tilespmem:s20], [sflag:s19] =	stream.indirect_vreg.gather @p1 [hbm4b:s9+s3], $0x80, v4, vm0, $0xb8;
	[tilespmem:$0x18200] =	vst v63  }
0x5b: {  	s20 =	sor.u32 @p1 $0x2200, s18  }
0x5c: {  	[tilespmem:s20], [sflag:s19] =	stream.indirect_vreg.gather @p1 [hbm4b:s1+s3], $0x80, v3, vm0, $0xb8;
	[tilespmem:$0x18200] =	vst v63  }
0x5d: {  	s20 =	sor.u32 @p1 $0x2A00, s18  }
0x5e: {  	[tilespmem:s20], [sflag:s19] =	stream.indirect_vreg.gather @p1 [hbm4b:s7+s3], $0x80, v3, vm0, $0xb8;
	[tilespmem:$0x18200] =	vst v63  }
0x5f: {  	s22 =	simm.s32 $0x0;
	s24 =	simm.s32 $0x0;
	s20 =	sor.u32 @p1 $0x3200, s18  }
0x60: {  	[tilespmem:s20], [sflag:s19] =	stream.indirect_vreg.gather @p1 [hbm4b:s8+s3], $0x80, v3, vm0, $0xb8;
	[tilespmem:$0x18200] =	vst v63  }
0x61: {  	s25 =	sadd.s32 $0x1, s17;
	s22 =	sand.u32 $0x2000, s22;
	s18 =	sor.u32 @p1 $0x3A00, s18  }
0x62: {  	[tilespmem:s18], [sflag:s19] =	stream.indirect_vreg.gather @p1 [hbm4b:s9+s3], $0x80, v3, vm0, $0xb8;
	[tilespmem:$0x18200] =	vst v63  }
0x63: {  	p0 =	sne.s32 s17, $0x0;
	s18 =	sshrl.u32 s16, $0x2;
	s19 =	simm.s32 $0x0  }
0x64: {  	_ =	swait.ge [sflag:s25], $0x4000;
	s20 =	sand.u32 @!p0 $0x1, s18;
	s26 =	sshll.u32 s18, $0xE  }
0x65: {  	s23 =	sand.u32 $0x1800, s19;
	[sflag:s25] =	ssyncset.done $0x0;
	s28 =	sand.u32 $0x4000, s26  }
0x66: {  	s21 =	sadd.s32 @!p0 $0x9, s20;
	[sflag:s25] =	ssyncadd.s32 $0xFFFFC000;
	s20 =	sor.u32 $0x10200, s28  }
0x67: {  	s26 =	sor.u32 $0x400, s23;
	_ =	swait.ge @!p0 [sflag:s21], $0x4000;
	s25 =	sadd.s32 s22, s20  }
0x68: {  	s24 =	sand.u32 $0x380, s24;
	[sflag:s21] =	ssyncset.done @!p0 $0x0;
	s28 =	sadd.s32 s26, s25  }
0x69: {  	s29 =	sadd.s32 s23, s25;
	[sflag:s21] =	ssyncadd.s32 @!p0 $0xFFFFC000;
	s25 =	sadd.s32 s24, s28  }
0x6a: {  	s29 =	sadd.s32 s24, s29;
	v3 =	vld [tilespmem:s25+$0x70]  }
0x6b: {  	v9 =	vld [tilespmem:s29+$0x0]  }
0x6c: {  	v10 =	vld [tilespmem:s29+$0x10]  }
0x6d: {  	v11 =	vld [tilespmem:s29+$0x20]  }
0x6e: {  	v12 =	vld [tilespmem:s29+$0x30]  }
0x6f: {  	v13 =	vld [tilespmem:s29+$0x40]  }
0x70: {  	v14 =	vld [tilespmem:s29+$0x50]  }
0x71: {  	v15 =	vld [tilespmem:s29+$0x60]  }
0x72: {  	v16 =	vld [tilespmem:s29+$0x70]  }
0x73: {  	v17 =	vld [tilespmem:s25+$0x0]  }
0x74: {  	s30 =	sshll.u32 s17, $0xE;
	v8 =	vld [tilespmem:s25+$0x10]  }
0x75: {  	s21 =	sor.u32 $0x200, s30;
	v7 =	vld [tilespmem:s25+$0x20]  }
0x76: {  	s28 =	sadd.s32 s22, s21;
	v6 =	vld [tilespmem:s25+$0x30]  }
0x77: {  	v5 =	vld [tilespmem:s25+$0x40];
	s22 =	sadd.s32 s26, s28  }
0x78: {  	v4 =	vld [tilespmem:s25+$0x50];
	s22 =	sadd.s32 s24, s22  }
0x79: {  	s23 =	sadd.s32 s23, s28;
	[tilespmem:s22+$0x70] =	vst.add.f32.msk $0xffff, v3  }
0x7a: {  	s23 =	sadd.s32 s24, s23;
	v3 =	vld [tilespmem:s25+$0x60]  }
0x7b: {  	[tilespmem:s23+$0x0] =	vst.add.f32.msk $0xffff, v9  }
0x7c: {  	[tilespmem:s23+$0x10] =	vst.add.f32.msk $0xffff, v10  }
0x7d: {  	[tilespmem:s23+$0x20] =	vst.add.f32.msk $0xffff, v11  }
0x7e: {  	[tilespmem:s23+$0x30] =	vst.add.f32.msk $0xffff, v12  }
0x7f: {  	[tilespmem:s23+$0x40] =	vst.add.f32.msk $0xffff, v13  }
0x80: {  	[tilespmem:s23+$0x50] =	vst.add.f32.msk $0xffff, v14  }
0x81: {  	[tilespmem:s23+$0x60] =	vst.add.f32.msk $0xffff, v15  }
0x82: {  	[tilespmem:s23+$0x70] =	vst.add.f32.msk $0xffff, v16  }
0x83: {  	s23 =	simm.s32 $0x0;
	[tilespmem:s22+$0x0] =	vst.add.f32.msk $0xffff, v17  }
.LBB2_3:
0x84: {  	s23 =	sadd.s32 $0x10, s23;
	[tilespmem:s22+$0x10] =	vst.add.f32.msk $0xffff, v8  }
0x85: {  	s19 =	sadd.s32 $0x800, s19;
	s24 =	sshll.u32 s23, $0x4;
	p0 =	slt.u32 s23, $0x3F0;
	[tilespmem:s22+$0x20] =	vst.add.f32.msk $0xffff, v7  }
0x86: {  	s25 =	sand.u32 $0x1800, s19;
	s24 =	sand.u32 $0x2000, s24;
	[tilespmem:s22+$0x30] =	vst.add.f32.msk $0xffff, v6  }
0x87: {  	s26 =	sshll.u32 s23, $0x1;
	s29 =	sor.u32 $0x400, s25;
	s28 =	sadd.s32 s24, s20;
	[tilespmem:s22+$0x40] =	vst.add.f32.msk $0xffff, v5  }
0x88: {  	s26 =	sand.u32 $0x380, s26;
	s30 =	sadd.s32 s25, s28;
	s28 =	sadd.s32 s29, s28;
	[tilespmem:s22+$0x50] =	vst.add.f32.msk $0xffff, v4  }
0x89: {  	s30 =	sadd.s32 s26, s30;
	s28 =	sadd.s32 s26, s28;
	[tilespmem:s22+$0x60] =	vst.add.f32.msk $0xffff, v3  }
0x8a: {  	v3 =	vld [tilespmem:s28+$0x70]  }
0x8b: {  	v9 =	vld [tilespmem:s30+$0x0]  }
0x8c: {  	s22 =	sadd.s32 s24, s21;
	v10 =	vld [tilespmem:s30+$0x10]  }
0x8d: {  	s24 =	sadd.s32 s25, s22;
	s22 =	sadd.s32 s29, s22;
	v11 =	vld [tilespmem:s30+$0x20]  }
0x8e: {  	s24 =	sadd.s32 s26, s24;
	s22 =	sadd.s32 s26, s22;
	v12 =	vld [tilespmem:s30+$0x30]  }
0x8f: {  	[tilespmem:s22+$0x70] =	vst.add.f32.msk $0xffff, v3  }
0x90: {  	v13 =	vld [tilespmem:s30+$0x40]  }
0x91: {  	v14 =	vld [tilespmem:s30+$0x50]  }
0x92: {  	v15 =	vld [tilespmem:s30+$0x60]  }
0x93: {  	v16 =	vld [tilespmem:s30+$0x70]  }
0x94: {  	v17 =	vld [tilespmem:s28+$0x0]  }
0x95: {  	v8 =	vld [tilespmem:s28+$0x10]  }
0x96: {  	v7 =	vld [tilespmem:s28+$0x20]  }
0x97: {  	v6 =	vld [tilespmem:s28+$0x30]  }
0x98: {  	v5 =	vld [tilespmem:s28+$0x40]  }
0x99: {  	v4 =	vld [tilespmem:s28+$0x50]  }
0x9a: {  	v3 =	vld [tilespmem:s28+$0x60]  }
0x9b: {  	[tilespmem:s24+$0x0] =	vst.add.f32.msk $0xffff, v9  }
0x9c: {  	[tilespmem:s24+$0x10] =	vst.add.f32.msk $0xffff, v10  }
0x9d: {  	[tilespmem:s24+$0x20] =	vst.add.f32.msk $0xffff, v11  }
0x9e: {  	[tilespmem:s24+$0x30] =	vst.add.f32.msk $0xffff, v12  }
.Ltmp0:
0x9f: {  	[tilespmem:s24+$0x40] =	vst.add.f32.msk $0xffff, v13;
	(pc) =	sbr.rel @p0 .LBB2_3-.Ltmp0, $4  }
0xa0: {  	[tilespmem:s24+$0x50] =	vst.add.f32.msk $0xffff, v14  }
0xa1: {  	[tilespmem:s24+$0x60] =	vst.add.f32.msk $0xffff, v15  }
0xa2: {  	[tilespmem:s24+$0x70] =	vst.add.f32.msk $0xffff, v16  }
0xa3: {  	[tilespmem:s22+$0x0] =	vst.add.f32.msk $0xffff, v17  }
0xa4: {  	[tilespmem:s22+$0x10] =	vst.add.f32.msk $0xffff, v8  }
0xa5: {  	[tilespmem:s22+$0x20] =	vst.add.f32.msk $0xffff, v7  }
0xa6: {  	[tilespmem:s22+$0x30] =	vst.add.f32.msk $0xffff, v6  }
0xa7: {  	[tilespmem:s22+$0x40] =	vst.add.f32.msk $0xffff, v5;
	s19 =	sshll.u32 s18, $0xB;
	p0 =	sgt.u32 s16, $0x17  }
0xa8: {  	[tilespmem:s22+$0x50] =	vst.add.f32.msk $0xffff, v4;
	s20 =	sshll.u32 s17, $0x13;
	s23 =	sadd.s32 s19, s10;
	p1 =	sne.s32 @!p0 s17, $0x3  }
0xa9: {  	[tilespmem:s22+$0x60] =	vst.add.f32.msk $0xffff, v3;
	s30 =	sadd.s32 $0x5, s17;
	s20 =	sadd.s32 s20, s23;
	p0 =	por p1, p0  }
0xaa: {  	[hbm4b:s20+s3] =	stream.linear.scatter [tilespmem:s21], [sflag:s30], $0x4000, $0x38;
	[tilespmem:$0x18200] =	vst v63  }
0xab: {  	s17 =	sand.u32 @!p0 $0x1, s18  }
0xac: {  	s16 =	sadd.s32 $0x1, s16;
	s19 =	sadd.s32 @!p0 s12, s19;
	s18 =	sshll.u32 @!p0 s17, $0xE  }
0xad: {  	s20 =	simm.s32 @!p0 $0x0;
	s17 =	sadd.s32 @!p0 $0x9, s17;
	s18 =	sor.u32 @!p0 $0x10200, s18  }
0xae: {  	[tilespmem:s18], [sflag:s17] =	stream.linear.gather @!p0 [hbm4b:s19+s20], $0x4000, $0x38;
	[tilespmem:$0x18200] =	vst v63  }
0xaf: {  	p0 =	sne.s32 s16, $0x20  }
.Ltmp1:
0xb0: {  	_ = 	snop;
	(pc) =	sbr.rel @p0 .LBB2_2-.Ltmp1, $1  }
0xb1: {  	_ =	sdelay $0x3  }
0xb2: {  	s15 =	sadd.s32 $0x1, s15  }
0xb3: {  	_ =	swait.ge [sflag:s2], $0x4000;
	p0 =	sne.s32 s15, s11  }
.Ltmp2:
0xb4: {  	[sflag:s2] =	ssyncset.done $0x0;
	(pc) =	sbr.rel @p0 .LBB2_1-.Ltmp2, $4  }
0xb5: {  	[sflag:s2] =	ssyncadd.s32 $0xFFFFC000  }
0xb6: {  	_ =	swait.ge [sflag:s14], $0x4000  }
0xb7: {  	[sflag:s14] =	ssyncset.done $0x0  }
0xb8: {  	[sflag:s14] =	ssyncadd.s32 $0xFFFFC000  }
0xb9: {  	_ =	sfence.sel $0x180000  }
0xba: {  	[bflag:$0x0] =	sbarrier.arrive $0xFFFF  }
0xbb: {  	_ =	strace $0x90000047  }
0xbc: {  	s0 =	stileid.u32;
	[bflag:$0x2] =	sbarrier.arrive $0xFFFF  }
0xbd: {  	p0 =	sne.s32 s0, $0x0;
	s0 =	rddreg [dreg:$0x4]  }
0xbe: {  	s0 =	sadd.s32 @!p0 $0x100000, s0  }
0xbf: {  	[sflag:s0] =	ssyncadd.tile.s32 @!p0 $0x1;
	_ =	shalt  }
.Lfunc_end2:
_tile_overlayer_lowered:
.L_overlay_start_2:
0xc0: {  	(tag) =	ssettag $0x2  }
0xc1: {  	s0 =	rddreg [dreg:$0x0];
	s2 =	stileid.u32  }
0xc2: {  	s1 =	rddreg [dreg:$0x1];
	p0 =	sne.s32 s2, $0x0  }
0xc3: {  	s3 =	rddreg [dreg:$0x2];
	[bflag:$0x3] =	sbarrier.arrive $0xFFFF;
	s2 =	simm.s32 @!p0 $0x1C0B  }
0xc4: {  	[timem:s3], [sflag:s2] =	dma.local @!p0 [hbm:s0], s1  }
0xc5: {  	s0 =	simm.s32 @!p0 $0xB  }
0xc6: {  	_ =	swait.ge @!p0 [sflag:s0], s1  }
0xc7: {  	s1 =	ssub.s32 @!p0 $0x0, s1;
	[sflag:s0] =	ssyncset.done @!p0 $0x0  }
0xc8: {  	[sflag:s0] =	ssyncadd.s32 @!p0 s1  }
0xc9: {  	[bflag:$0x3] =	sbarrier.arrive $0xFFFF  }
0xca: {  	_ =	shalt  }

</sc_bundles>
